<compile_context>
chip_gen: v7x
topology: tpu7x:2x2x1
jax: 0.10.2.dev20260603
libtpu: 0.0.44.dev20260713+nightly
codegen_flags: <defaults>
</compile_context>

<pallas_src>
import dataclasses
import functools

import jax
import jax.numpy as jnp
from jax import lax
from jax.experimental import pallas as pl
from jax.experimental.pallas import tpu as pltpu
from jax.experimental.pallas import tpu_sc as plsc

D = 128
NC = 2
NS = 16
NW = NC * NS
EB = 128

_mesh = plsc.VectorSubcoreMesh(core_axis_name="c", subcore_axis_name="s")

_cp = pltpu.CompilerParams()
if "needs_layout_passes" in pltpu.CompilerParams.__dataclass_fields__:
    _cp = dataclasses.replace(_cp, needs_layout_passes=False)


def _hist_call(n_pad, nb, nbt):

    @functools.partial(
        pl.kernel,
        out_type=jax.ShapeDtypeStruct((NW, n_pad), jnp.float32),
        mesh=_mesh,
        scratch_types=[
            pltpu.VMEM((n_pad,), jnp.float32),
            pltpu.VMEM((8, EB), jnp.int32),
        ],
        compiler_params=_cp,
    )
    def hist(col_hbm, out_hbm, hist_v, idx_v):
        cid = lax.axis_index("c")
        sid = lax.axis_index("s")
        wid = sid * NC + cid
        zeros = jnp.zeros((16,), jnp.float32)
        ones = jnp.ones((16,), jnp.float32)

        @pl.loop(0, n_pad // 16)
        def _(i):
            hist_v[pl.ds(i * 16, 16)] = zeros

        @pl.loop(0, nbt // 8)
        def _(g):
            b0 = wid * nbt + g * 8
            pltpu.sync_copy(col_hbm.at[pl.ds(b0, 8)], idx_v)

            @pl.loop(0, 8)
            def _(j):
                @pl.loop(0, EB // 16)
                def _(c):
                    idx16 = idx_v[j, pl.ds(c * 16, 16)]
                    plsc.addupdate_scatter(hist_v, [idx16], ones)

        pltpu.sync_copy(hist_v, out_hbm.at[wid])

    return hist


def _edge_call(n_pad, nb, nbt, dt=jnp.float32):
    rpt = n_pad // NS
    gpb = 8
    gs1 = ((2 * nbt * 2) // 10 // gpb) * gpb
    gs0 = 2 * nbt - gs1

    @functools.partial(
        pl.kernel,
        out_type=jax.ShapeDtypeStruct((NC, n_pad, D), dt),
        mesh=_mesh,
        scratch_types=[
            pltpu.VMEM_SHARED((n_pad, D), dt),
            pltpu.VMEM((gpb, EB), jnp.int32),
            pltpu.VMEM((gpb, EB), jnp.int32),
            pltpu.VMEM((EB, D), dt),
            pltpu.VMEM((EB, D), dt),
            pltpu.SemaphoreType.DMA,
            pltpu.SemaphoreType.DMA,
            pltpu.SemaphoreType.DMA,
            pltpu.SemaphoreType.DMA,
        ],
    )
    def edge(
        xs_hbm, row_hbm, col_hbm, z128_hbm, out_hbm,
        acc_sh, ridx, cidx, buf_a, buf_b, sg_a, sg_b, ss_a, ss_b,
    ):
        gbuf = (buf_a, buf_b)
        semg = (sg_a, sg_b)
        sems = (ss_a, ss_b)
        cid = lax.axis_index("c")
        sid = lax.axis_index("s")
        start = jnp.where(cid == 0, sid * gs0, NS * gs0 + sid * gs1)
        cnt = jnp.where(cid == 0, gs0, gs1)
        pltpu.sync_copy(z128_hbm, acc_sh.at[pl.ds(sid * rpt, rpt)])
        plsc.subcore_barrier()

        @pl.loop(0, cnt // gpb)
        def _(g):
            b0 = start + g * gpb
            pltpu.sync_copy(row_hbm.at[pl.ds(b0, gpb)], ridx)
            pltpu.sync_copy(col_hbm.at[pl.ds(b0, gpb)], cidx)
            hg = {
                0: pltpu.async_copy(xs_hbm.at[ridx.at[0]], gbuf[0], semg[0]),
                1: pltpu.async_copy(xs_hbm.at[ridx.at[1]], gbuf[1], semg[1]),
            }
            hs = {}
            for k in range(gpb):
                hg[k].wait()
                hs[k] = pltpu.async_copy(
                    gbuf[k % 2], acc_sh.at[cidx.at[k]], sems[k % 2], add=True
                )
                if k + 2 < gpb:
                    hs[k].wait()
                    hg[k + 2] = pltpu.async_copy(
                        xs_hbm.at[ridx.at[k + 2]], gbuf[k % 2], semg[k % 2]
                    )
            hs[gpb - 2].wait()
            hs[gpb - 1].wait()

        plsc.subcore_barrier()
        pltpu.sync_copy(
            acc_sh.at[pl.ds(sid * rpt, rpt)],
            out_hbm.at[cid, pl.ds(sid * rpt, rpt)],
        )

    return edge


def _mm_body(x_ref, w_ref, b_ref, h_ref, xs_ref):
    deg = jnp.sum(h_ref[...], axis=0) + 1.0
    dis = lax.rsqrt(deg)
    xw = lax.dot_general(
        x_ref[...], w_ref[...], (((1,), (1,)), ((), ())),
        preferred_element_type=jnp.float32,
    ) + b_ref[...]
    xs_ref[...] = dis[:, None] * xw


def _ep_body(xs_ref, p0_ref, p1_ref, h_ref, o_ref):
    deg = jnp.sum(h_ref[...], axis=0) + 1.0
    dis = lax.rsqrt(deg)
    o_ref[...] = dis[:, None] * (p0_ref[...] + p1_ref[...] + xs_ref[...])


def kernel(x, edge_index, W, b):
    n, _ = x.shape
    e = edge_index.shape[1]

    group = NW * 8 * EB
    e_pad = ((e + group - 1) // group) * group
    nb = e_pad // EB
    nbt = nb // NW
    n_pad = ((n // 2048) + 1) * 2048

    row = edge_index[0].astype(jnp.int32)
    col = edge_index[1].astype(jnp.int32)
    pad = jnp.full((e_pad - e,), n, jnp.int32)
    pad_col = n + jnp.arange(e_pad - e, dtype=jnp.int32) % (n_pad - n)
    row2 = jnp.concatenate([row, pad]).reshape(nb, EB)
    col2 = jnp.concatenate([col, pad_col]).reshape(nb, EB)
    xp = jnp.zeros((n_pad, D), jnp.float32).at[:n].set(x)
    z128 = jnp.zeros((n_pad // NS, D), jnp.float32)

    hist = _hist_call(n_pad, nb, nbt)(col2)

    bm = 512
    xs = pl.pallas_call(
        _mm_body,
        grid=(n_pad // bm,),
        in_specs=[
            pl.BlockSpec((bm, D), lambda i: (i, 0)),
            pl.BlockSpec((D, D), lambda i: (0, 0)),
            pl.BlockSpec((1, D), lambda i: (0, 0)),
            pl.BlockSpec((NW, bm), lambda i: (0, i)),
        ],
        out_specs=pl.BlockSpec((bm, D), lambda i: (i, 0)),
        out_shape=jax.ShapeDtypeStruct((n_pad, D), jnp.float32),
    )(xp, W, b.reshape(1, D), hist)

    parts = _edge_call(n_pad, nb, nbt)(xs, row2, col2, z128)

    bo = 512
    out = pl.pallas_call(
        _ep_body,
        grid=(n_pad // bo,),
        in_specs=[
            pl.BlockSpec((bo, D), lambda i: (i, 0)),
            pl.BlockSpec((bo, D), lambda i: (i, 0)),
            pl.BlockSpec((bo, D), lambda i: (i, 0)),
            pl.BlockSpec((NW, bo), lambda i: (0, i)),
        ],
        out_specs=pl.BlockSpec((bo, D), lambda i: (i, 0)),
        out_shape=jax.ShapeDtypeStruct((n_pad, D), jnp.float32),
    )(xs, parts[0], parts[1], hist)
    return out[:n]

# --- scband reference (transcript-rebuilt; emitter-appended) ---
"""Pipeline reference for scband-gcnn-69114613730641 (READ-ONLY COPY).

The authoritative reference and input builder live on the scoring server;
editing this copy changes nothing except your own understanding.
"""

import jax, jax.numpy as jnp
import numpy as np

N_NODES = 10000
N_EDGES = 320000
D_IN = 128
D_OUT = 128

def setup_inputs(seed: int = 0) -> dict:
    key = jax.random.key(seed)
    k1, k2, k3, k4 = jax.random.split(key, 4)
    x = jax.random.normal(k1, (N_NODES, D_IN), dtype=jnp.float32)
    edge_index = jax.random.randint(k2, (2, N_EDGES), 0, N_NODES, dtype=jnp.int64)
    # Linear layer params for conv1.lin (torch Linear: y = x @ W.T + b)
    bound = 1.0 / np.sqrt(D_IN)
    W = jax.random.uniform(k3, (D_OUT, D_IN), minval=-bound, maxval=bound, dtype=jnp.float32)
    b = jax.random.uniform(k4, (D_OUT,), minval=-bound, maxval=bound, dtype=jnp.float32)
    return {"x": x, "edge_index": edge_index, "W": W, "b": b}

def gcn_conv(x, edge_index, W, b):
    N = x.shape[0]
    # add_self_loops
    loops = jnp.arange(N, dtype=edge_index.dtype)
    row = jnp.concatenate([edge_index[0], loops])
    col = jnp.concatenate([edge_index[1], loops])
    # linear transform
    xw = x @ W.T + b
    # degree of col (destination) nodes
    deg = jax.ops.segment_sum(jnp.ones_like(col, dtype=xw.dtype), col, num_segments=N)
    deg_inv_sqrt = jnp.where(deg > 0, deg ** -0.5, 0.0)
    norm = deg_inv_sqrt[row] * deg_inv_sqrt[col]
    # message: norm * x_j (x_j = source node features), aggregate 'add' at col
    msg = norm[:, None] * jnp.take(xw, row, axis=0)
    out = jax.ops.segment_sum(msg, col, num_segments=N)
    return out

def reference(x, edge_index, W, b):
    # GCNN.forward iterates a list of graphs and applies conv1 to each;
    # here we evaluate it on a single graph (the list has one element).
    return gcn_conv(x, edge_index, W, b)

if __name__ == "__main__":
    import jax
    _d = setup_inputs()
    print(jax.jit(kernel)(*tuple(_d.values())))

</pallas_src>

<mosaic_0001>
#map = affine_map<(d0, d1) -> (0, 0)>
#map1 = affine_map<(d0, d1) -> (0, 0, 0)>
module attributes {stable_mosaic.version = 14 : i64} {
  func.func @edge(%arg0: i32, %arg1: i32, %arg2: memref<10240x128xf32, #tpu.memory_space<hbm>>, %arg3: memref<2560x128xi32, #tpu.memory_space<hbm>>, %arg4: memref<2560x128xi32, #tpu.memory_space<hbm>>, %arg5: memref<640x128xf32, #tpu.memory_space<hbm>>, %arg6: memref<2x10240x128xf32, #tpu.memory_space<hbm>>, %arg7: memref<10240x128xf32, #tpu.memory_space<vmem_shared>>, %arg8: memref<8x128xi32, #tpu.memory_space<vmem>>, %arg9: memref<8x128xi32, #tpu.memory_space<vmem>>, %arg10: memref<128x128xf32, #tpu.memory_space<vmem>>, %arg11: memref<128x128xf32, #tpu.memory_space<vmem>>, %arg12: memref<!tpu.dma_semaphore, #tpu.memory_space<semaphore_mem>>, %arg13: memref<!tpu.dma_semaphore, #tpu.memory_space<semaphore_mem>>, %arg14: memref<!tpu.dma_semaphore, #tpu.memory_space<semaphore_mem>>, %arg15: memref<!tpu.dma_semaphore, #tpu.memory_space<semaphore_mem>>) attributes {dimension_semantics = [#tpu.dimension_semantics<core_parallel>, #tpu.dimension_semantics<subcore_parallel>], iteration_bounds = array<i64: 2, 16>, scalar_prefetch = 0 : i64, scratch_operands = 9 : i64, tpu.core_type = #tpu.core_type<sc_vector_subcore>, window_params = [{transform_indices = #map}, {transform_indices = #map}, {transform_indices = #map}, {transform_indices = #map}, {transform_indices = #map1}]} {
    %eq3A = arith.constant 0 : i32
    %eq3A_0 = arith.cmpi eq, %arg0, %eq3A : i32
    %mul3A = arith.constant 128 : i32
    %mul3A_1 = arith.muli %arg1, %mul3A : i32
    %mul3A_2 = arith.constant 32 : i32
    %mul3A_3 = arith.muli %arg1, %mul3A_2 : i32
    %add3A = arith.constant 2048 : i32
    %add3A_4 = arith.addi %add3A, %mul3A_3 : i32
    %select_n3A = arith.select %eq3A_0, %mul3A_1, %add3A_4 : i32
    %eq3A_5 = arith.constant 0 : i32
    %eq3A_6 = arith.cmpi eq, %arg0, %eq3A_5 : i32
    %jit3A = arith.constant 128 : i32
    %jit3A_7 = arith.constant 32 : i32
    %select_n3A_8 = arith.select %eq3A_6, %jit3A, %jit3A_7 : i32
    %mul3A_9 = arith.constant 640 : i32
    %mul3A_10 = arith.muli %arg1, %mul3A_9 : i32
    "tpu.region"() ({
      %run_scoped3A = tpu.sem_alloc : memref<!tpu.dma_semaphore, #tpu.memory_space<semaphore_mem>>
      %dma_start3A = arith.constant 0 : i32
      %dma_start3A_52 = tpu.memref_slice %arg7[%mul3A_10, %dma_start3A] : memref<10240x128xf32, #tpu.memory_space<vmem_shared>> -> memref<640x128xf32, #tpu.memory_space<vmem_shared>>
      tpu.enqueue_dma source(%arg5 : memref<640x128xf32, #tpu.memory_space<hbm>>) target(%dma_start3A_52 : memref<640x128xf32, #tpu.memory_space<vmem_shared>>) target_semaphore(%run_scoped3A : memref<!tpu.dma_semaphore, #tpu.memory_space<semaphore_mem>>)
      %dma_wait3A = arith.constant 0 : i32
      %dma_wait3A_53 = tpu.memref_slice %arg7[%mul3A_10, %dma_wait3A] : memref<10240x128xf32, #tpu.memory_space<vmem_shared>> -> memref<640x128xf32, #tpu.memory_space<vmem_shared>>
      tpu.wait_dma2 semaphore(%run_scoped3A : memref<!tpu.dma_semaphore, #tpu.memory_space<semaphore_mem>>) src(%arg5 : memref<640x128xf32, #tpu.memory_space<hbm>>) dst(%dma_wait3A_53 : memref<640x128xf32, #tpu.memory_space<vmem_shared>>)
      tpu.yield
    }) : () -> ()
    %barrier3A = arith.constant 0 : index
    tpu.barrier barrier_id(%barrier3A)
    %jit3A_11 = arith.constant 8 : i32
    %div3A = arith.divsi %select_n3A_8, %jit3A_11 : i32
    %sign3A = arith.constant 0 : i32
    %sign3A_12 = arith.cmpi sgt, %select_n3A_8, %sign3A : i32
    %sign3A_13 = arith.extui %sign3A_12 : i1 to i32
    %sign3A_14 = arith.constant 0 : i32
    %sign3A_15 = arith.cmpi slt, %select_n3A_8, %sign3A_14 : i32
    %sign3A_16 = arith.extui %sign3A_15 : i1 to i32
    %sign3A_17 = arith.subi %sign3A_13, %sign3A_16 : i32
    %sign3A_18 = arith.constant 0 : i32
    %sign3A_19 = arith.cmpi sgt, %jit3A_11, %sign3A_18 : i32
    %sign3A_20 = arith.extui %sign3A_19 : i1 to i32
    %sign3A_21 = arith.constant 0 : i32
    %sign3A_22 = arith.cmpi slt, %jit3A_11, %sign3A_21 : i32
    %sign3A_23 = arith.extui %sign3A_22 : i1 to i32
    %sign3A_24 = arith.subi %sign3A_20, %sign3A_23 : i32
    %ne3A = arith.cmpi ne, %sign3A_17, %sign3A_24 : i32
    %rem3A = arith.remsi %select_n3A_8, %jit3A_11 : i32
    %ne3A_25 = arith.constant 0 : i32
    %ne3A_26 = arith.cmpi ne, %rem3A, %ne3A_25 : i32
    %and3A = arith.andi %ne3A, %ne3A_26 : i1
    %sub3A = arith.constant 1 : i32
    %sub3A_27 = arith.subi %div3A, %sub3A : i32
    %select_n3A_28 = arith.select %and3A, %sub3A_27, %div3A : i32
    %sub3A_29 = arith.constant 0 : i32
    %sub3A_30 = arith.subi %select_n3A_28, %sub3A_29 : i32
    %sub3A_31 = arith.constant 1 : i32
    %sub3A_32 = arith.constant 1 : i32
    %sub3A_33 = arith.subi %sub3A_31, %sub3A_32 : i32
    %add3A_34 = arith.addi %sub3A_30, %sub3A_33 : i32
    %div3A_35 = arith.constant 1 : i32
    %div3A_36 = arith.divsi %add3A_34, %div3A_35 : i32
    %while3A = arith.constant 1 : i32
    %while3A_37 = arith.constant 0 : i32
    %while3A_38 = arith.constant 0 : i32
    %while3A_39 = arith.subi %div3A_36, %while3A_38 : i32
    %while3A_40 = arith.addi %while3A_38, %while3A_39 : i32
    %while3A_41 = arith.constant 1 : i32
    %while3A_42 = arith.divsi %while3A_39, %while3A_41 : i32
    %while3A_43 = arith.muli %while3A_42, %while3A_41 : i32
    %while3A_44 = arith.addi %while3A_38, %while3A_43 : i32
    %while3A_45 = arith.constant 1 : i32
    scf.for %while3A_52 = %while3A_38 to %while3A_44 step %while3A_45  : i32 {
      %mul3A_53 = arith.muli %while3A_52, %while3A : i32
      %add3A_54 = arith.addi %while3A_37, %mul3A_53 : i32
      %mul3A_55 = arith.constant 8 : i32
      %mul3A_56 = arith.muli %add3A_54, %mul3A_55 : i32
      %add3A_57 = arith.addi %select_n3A, %mul3A_56 : i32
      "tpu.region"() ({
        %run_scoped3A = tpu.sem_alloc : memref<!tpu.dma_semaphore, #tpu.memory_space<semaphore_mem>>
        %dma_start3A_280 = arith.constant 0 : i32
        %dma_start3A_281 = tpu.memref_slice %arg3[%add3A_57, %dma_start3A_280] : memref<2560x128xi32, #tpu.memory_space<hbm>> -> memref<8x128xi32, #tpu.memory_space<hbm>>
        %dma_start3A_282 = arith.constant 0 : i32
        %dma_start3A_283 = tpu.memref_slice %arg3[%add3A_57, %dma_start3A_282] : memref<2560x128xi32, #tpu.memory_space<hbm>> -> memref<8x128xi32, #tpu.memory_space<hbm>>
        tpu.enqueue_dma source(%dma_start3A_283 : memref<8x128xi32, #tpu.memory_space<hbm>>) target(%arg8 : memref<8x128xi32, #tpu.memory_space<vmem>>) target_semaphore(%run_scoped3A : memref<!tpu.dma_semaphore, #tpu.memory_space<semaphore_mem>>)
        %dma_wait3A_284 = arith.constant 0 : i32
        %dma_wait3A_285 = tpu.memref_slice %arg3[%add3A_57, %dma_wait3A_284] : memref<2560x128xi32, #tpu.memory_space<hbm>> -> memref<8x128xi32, #tpu.memory_space<hbm>>
        %dma_wait3A_286 = arith.constant 0 : i32
        %dma_wait3A_287 = tpu.memref_slice %arg3[%add3A_57, %dma_wait3A_286] : memref<2560x128xi32, #tpu.memory_space<hbm>> -> memref<8x128xi32, #tpu.memory_space<hbm>>
        tpu.wait_dma2 semaphore(%run_scoped3A : memref<!tpu.dma_semaphore, #tpu.memory_space<semaphore_mem>>) src(%dma_wait3A_287 : memref<8x128xi32, #tpu.memory_space<hbm>>) dst(%arg8 : memref<8x128xi32, #tpu.memory_space<vmem>>)
        tpu.yield
      }) : () -> ()
      "tpu.region"() ({
        %run_scoped3A = tpu.sem_alloc : memref<!tpu.dma_semaphore, #tpu.memory_space<semaphore_mem>>
        %dma_start3A_280 = arith.constant 0 : i32
        %dma_start3A_281 = tpu.memref_slice %arg4[%add3A_57, %dma_start3A_280] : memref<2560x128xi32, #tpu.memory_space<hbm>> -> memref<8x128xi32, #tpu.memory_space<hbm>>
        %dma_start3A_282 = arith.constant 0 : i32
        %dma_start3A_283 = tpu.memref_slice %arg4[%add3A_57, %dma_start3A_282] : memref<2560x128xi32, #tpu.memory_space<hbm>> -> memref<8x128xi32, #tpu.memory_space<hbm>>
        tpu.enqueue_dma source(%dma_start3A_283 : memref<8x128xi32, #tpu.memory_space<hbm>>) target(%arg9 : memref<8x128xi32, #tpu.memory_space<vmem>>) target_semaphore(%run_scoped3A : memref<!tpu.dma_semaphore, #tpu.memory_space<semaphore_mem>>)
        %dma_wait3A_284 = arith.constant 0 : i32
        %dma_wait3A_285 = tpu.memref_slice %arg4[%add3A_57, %dma_wait3A_284] : memref<2560x128xi32, #tpu.memory_space<hbm>> -> memref<8x128xi32, #tpu.memory_space<hbm>>
        %dma_wait3A_286 = arith.constant 0 : i32
        %dma_wait3A_287 = tpu.memref_slice %arg4[%add3A_57, %dma_wait3A_286] : memref<2560x128xi32, #tpu.memory_space<hbm>> -> memref<8x128xi32, #tpu.memory_space<hbm>>
        tpu.wait_dma2 semaphore(%run_scoped3A : memref<!tpu.dma_semaphore, #tpu.memory_space<semaphore_mem>>) src(%dma_wait3A_287 : memref<8x128xi32, #tpu.memory_space<hbm>>) dst(%arg9 : memref<8x128xi32, #tpu.memory_space<vmem>>)
        tpu.yield
      }) : () -> ()
      %dma_start3A = arith.constant 0 : i32
      %dma_start3A_58 = arith.constant 0 : i32
      %dma_start3A_59 = tpu.memref_slice %arg8[%dma_start3A, %dma_start3A_58] : memref<8x128xi32, #tpu.memory_space<vmem>> -> memref<1x128xi32, #tpu.memory_space<vmem>>
      %dma_start3A_60 = tpu.memref_squeeze %dma_start3A_59 : memref<1x128xi32, #tpu.memory_space<vmem>> -> memref<128xi32, #tpu.memory_space<vmem>>
      %dma_start3A_61 = arith.constant 0 : i32
      %dma_start3A_62 = arith.constant 0 : i32
      %dma_start3A_63 = tpu.memref_slice %arg2[%dma_start3A_61, %dma_start3A_62] : memref<10240x128xf32, #tpu.memory_space<hbm>> -> memref<10240x128xf32, #tpu.memory_space<hbm>>
      tpu.enqueue_indirect_dma source(%dma_start3A_63 : memref<10240x128xf32, #tpu.memory_space<hbm>>) target(%arg10 : memref<128x128xf32, #tpu.memory_space<vmem>>) offsets(%dma_start3A_60 : memref<128xi32, #tpu.memory_space<vmem>>) semaphore(%arg12 : memref<!tpu.dma_semaphore, #tpu.memory_space<semaphore_mem>>)
      %dma_start3A_64 = arith.constant 1 : i32
      %dma_start3A_65 = arith.constant 0 : i32
      %dma_start3A_66 = tpu.memref_slice %arg8[%dma_start3A_64, %dma_start3A_65] : memref<8x128xi32, #tpu.memory_space<vmem>> -> memref<1x128xi32, #tpu.memory_space<vmem>>
      %dma_start3A_67 = tpu.memref_squeeze %dma_start3A_66 : memref<1x128xi32, #tpu.memory_space<vmem>> -> memref<128xi32, #tpu.memory_space<vmem>>
      %dma_start3A_68 = arith.constant 0 : i32
      %dma_start3A_69 = arith.constant 0 : i32
      %dma_start3A_70 = tpu.memref_slice %arg2[%dma_start3A_68, %dma_start3A_69] : memref<10240x128xf32, #tpu.memory_space<hbm>> -> memref<10240x128xf32, #tpu.memory_space<hbm>>
      tpu.enqueue_indirect_dma source(%dma_start3A_70 : memref<10240x128xf32, #tpu.memory_space<hbm>>) target(%arg11 : memref<128x128xf32, #tpu.memory_space<vmem>>) offsets(%dma_start3A_67 : memref<128xi32, #tpu.memory_space<vmem>>) semaphore(%arg13 : memref<!tpu.dma_semaphore, #tpu.memory_space<semaphore_mem>>)
      %dma_wait3A = arith.constant 0 : i32
      %dma_wait3A_71 = arith.constant 0 : i32
      %dma_wait3A_72 = tpu.memref_slice %arg8[%dma_wait3A, %dma_wait3A_71] : memref<8x128xi32, #tpu.memory_space<vmem>> -> memref<1x128xi32, #tpu.memory_space<vmem>>
      %dma_wait3A_73 = tpu.memref_squeeze %dma_wait3A_72 : memref<1x128xi32, #tpu.memory_space<vmem>> -> memref<128xi32, #tpu.memory_space<vmem>>
      %dma_wait3A_74 = arith.constant 0 : i32
      %dma_wait3A_75 = arith.constant 0 : i32
      %dma_wait3A_76 = tpu.memref_slice %arg2[%dma_wait3A_74, %dma_wait3A_75] : memref<10240x128xf32, #tpu.memory_space<hbm>> -> memref<10240x128xf32, #tpu.memory_space<hbm>>
      tpu.wait_indirect_dma semaphore(%arg12 : memref<!tpu.dma_semaphore, #tpu.memory_space<semaphore_mem>>) src(%dma_wait3A_76 : memref<10240x128xf32, #tpu.memory_space<hbm>>) dst(%arg10 : memref<128x128xf32, #tpu.memory_space<vmem>>)
      %dma_start3A_77 = arith.constant 0 : i32
      %dma_start3A_78 = arith.constant 0 : i32
      %dma_start3A_79 = tpu.memref_slice %arg9[%dma_start3A_77, %dma_start3A_78] : memref<8x128xi32, #tpu.memory_space<vmem>> -> memref<1x128xi32, #tpu.memory_space<vmem>>
      %dma_start3A_80 = tpu.memref_squeeze %dma_start3A_79 : memref<1x128xi32, #tpu.memory_space<vmem>> -> memref<128xi32, #tpu.memory_space<vmem>>
      %dma_start3A_81 = arith.constant 0 : i32
      %dma_start3A_82 = arith.constant 0 : i32
      %dma_start3A_83 = tpu.memref_slice %arg7[%dma_start3A_81, %dma_start3A_82] : memref<10240x128xf32, #tpu.memory_space<vmem_shared>> -> memref<10240x128xf32, #tpu.memory_space<vmem_shared>>
      tpu.enqueue_indirect_dma source(%arg10 : memref<128x128xf32, #tpu.memory_space<vmem>>) target(%dma_start3A_83 : memref<10240x128xf32, #tpu.memory_space<vmem_shared>>) offsets(%dma_start3A_80 : memref<128xi32, #tpu.memory_space<vmem>>) semaphore(%arg14 : memref<!tpu.dma_semaphore, #tpu.memory_space<semaphore_mem>>) {add = true}
      %dma_wait3A_84 = arith.constant 0 : i32
      %dma_wait3A_85 = arith.constant 0 : i32
      %dma_wait3A_86 = tpu.memref_slice %arg9[%dma_wait3A_84, %dma_wait3A_85] : memref<8x128xi32, #tpu.memory_space<vmem>> -> memref<1x128xi32, #tpu.memory_space<vmem>>
      %dma_wait3A_87 = tpu.memref_squeeze %dma_wait3A_86 : memref<1x128xi32, #tpu.memory_space<vmem>> -> memref<128xi32, #tpu.memory_space<vmem>>
      %dma_wait3A_88 = arith.constant 0 : i32
      %dma_wait3A_89 = arith.constant 0 : i32
      %dma_wait3A_90 = tpu.memref_slice %arg7[%dma_wait3A_88, %dma_wait3A_89] : memref<10240x128xf32, #tpu.memory_space<vmem_shared>> -> memref<10240x128xf32, #tpu.memory_space<vmem_shared>>
      tpu.wait_indirect_dma semaphore(%arg14 : memref<!tpu.dma_semaphore, #tpu.memory_space<semaphore_mem>>) src(%arg10 : memref<128x128xf32, #tpu.memory_space<vmem>>) dst(%dma_wait3A_90 : memref<10240x128xf32, #tpu.memory_space<vmem_shared>>)
      %dma_start3A_91 = arith.constant 2 : i32
      %dma_start3A_92 = arith.constant 0 : i32
      %dma_start3A_93 = tpu.memref_slice %arg8[%dma_start3A_91, %dma_start3A_92] : memref<8x128xi32, #tpu.memory_space<vmem>> -> memref<1x128xi32, #tpu.memory_space<vmem>>
      %dma_start3A_94 = tpu.memref_squeeze %dma_start3A_93 : memref<1x128xi32, #tpu.memory_space<vmem>> -> memref<128xi32, #tpu.memory_space<vmem>>
      %dma_start3A_95 = arith.constant 0 : i32
      %dma_start3A_96 = arith.constant 0 : i32
      %dma_start3A_97 = tpu.memref_slice %arg2[%dma_start3A_95, %dma_start3A_96] : memref<10240x128xf32, #tpu.memory_space<hbm>> -> memref<10240x128xf32, #tpu.memory_space<hbm>>
      tpu.enqueue_indirect_dma source(%dma_start3A_97 : memref<10240x128xf32, #tpu.memory_space<hbm>>) target(%arg10 : memref<128x128xf32, #tpu.memory_space<vmem>>) offsets(%dma_start3A_94 : memref<128xi32, #tpu.memory_space<vmem>>) semaphore(%arg12 : memref<!tpu.dma_semaphore, #tpu.memory_space<semaphore_mem>>)
      %dma_wait3A_98 = arith.constant 1 : i32
      %dma_wait3A_99 = arith.constant 0 : i32
      %dma_wait3A_100 = tpu.memref_slice %arg8[%dma_wait3A_98, %dma_wait3A_99] : memref<8x128xi32, #tpu.memory_space<vmem>> -> memref<1x128xi32, #tpu.memory_space<vmem>>
      %dma_wait3A_101 = tpu.memref_squeeze %dma_wait3A_100 : memref<1x128xi32, #tpu.memory_space<vmem>> -> memref<128xi32, #tpu.memory_space<vmem>>
      %dma_wait3A_102 = arith.constant 0 : i32
      %dma_wait3A_103 = arith.constant 0 : i32
      %dma_wait3A_104 = tpu.memref_slice %arg2[%dma_wait3A_102, %dma_wait3A_103] : memref<10240x128xf32, #tpu.memory_space<hbm>> -> memref<10240x128xf32, #tpu.memory_space<hbm>>
      tpu.wait_indirect_dma semaphore(%arg13 : memref<!tpu.dma_semaphore, #tpu.memory_space<semaphore_mem>>) src(%dma_wait3A_104 : memref<10240x128xf32, #tpu.memory_space<hbm>>) dst(%arg11 : memref<128x128xf32, #tpu.memory_space<vmem>>)
      %dma_start3A_105 = arith.constant 1 : i32
      %dma_start3A_106 = arith.constant 0 : i32
      %dma_start3A_107 = tpu.memref_slice %arg9[%dma_start3A_105, %dma_start3A_106] : memref<8x128xi32, #tpu.memory_space<vmem>> -> memref<1x128xi32, #tpu.memory_space<vmem>>
      %dma_start3A_108 = tpu.memref_squeeze %dma_start3A_107 : memref<1x128xi32, #tpu.memory_space<vmem>> -> memref<128xi32, #tpu.memory_space<vmem>>
      %dma_start3A_109 = arith.constant 0 : i32
      %dma_start3A_110 = arith.constant 0 : i32
      %dma_start3A_111 = tpu.memref_slice %arg7[%dma_start3A_109, %dma_start3A_110] : memref<10240x128xf32, #tpu.memory_space<vmem_shared>> -> memref<10240x128xf32, #tpu.memory_space<vmem_shared>>
      tpu.enqueue_indirect_dma source(%arg11 : memref<128x128xf32, #tpu.memory_space<vmem>>) target(%dma_start3A_111 : memref<10240x128xf32, #tpu.memory_space<vmem_shared>>) offsets(%dma_start3A_108 : memref<128xi32, #tpu.memory_space<vmem>>) semaphore(%arg15 : memref<!tpu.dma_semaphore, #tpu.memory_space<semaphore_mem>>) {add = true}
      %dma_wait3A_112 = arith.constant 1 : i32
      %dma_wait3A_113 = arith.constant 0 : i32
      %dma_wait3A_114 = tpu.memref_slice %arg9[%dma_wait3A_112, %dma_wait3A_113] : memref<8x128xi32, #tpu.memory_space<vmem>> -> memref<1x128xi32, #tpu.memory_space<vmem>>
      %dma_wait3A_115 = tpu.memref_squeeze %dma_wait3A_114 : memref<1x128xi32, #tpu.memory_space<vmem>> -> memref<128xi32, #tpu.memory_space<vmem>>
      %dma_wait3A_116 = arith.constant 0 : i32
      %dma_wait3A_117 = arith.constant 0 : i32
      %dma_wait3A_118 = tpu.memref_slice %arg7[%dma_wait3A_116, %dma_wait3A_117] : memref<10240x128xf32, #tpu.memory_space<vmem_shared>> -> memref<10240x128xf32, #tpu.memory_space<vmem_shared>>
      tpu.wait_indirect_dma semaphore(%arg15 : memref<!tpu.dma_semaphore, #tpu.memory_space<semaphore_mem>>) src(%arg11 : memref<128x128xf32, #tpu.memory_space<vmem>>) dst(%dma_wait3A_118 : memref<10240x128xf32, #tpu.memory_space<vmem_shared>>)
      %dma_start3A_119 = arith.constant 3 : i32
      %dma_start3A_120 = arith.constant 0 : i32
      %dma_start3A_121 = tpu.memref_slice %arg8[%dma_start3A_119, %dma_start3A_120] : memref<8x128xi32, #tpu.memory_space<vmem>> -> memref<1x128xi32, #tpu.memory_space<vmem>>
      %dma_start3A_122 = tpu.memref_squeeze %dma_start3A_121 : memref<1x128xi32, #tpu.memory_space<vmem>> -> memref<128xi32, #tpu.memory_space<vmem>>
      %dma_start3A_123 = arith.constant 0 : i32
      %dma_start3A_124 = arith.constant 0 : i32
      %dma_start3A_125 = tpu.memref_slice %arg2[%dma_start3A_123, %dma_start3A_124] : memref<10240x128xf32, #tpu.memory_space<hbm>> -> memref<10240x128xf32, #tpu.memory_space<hbm>>
      tpu.enqueue_indirect_dma source(%dma_start3A_125 : memref<10240x128xf32, #tpu.memory_space<hbm>>) target(%arg11 : memref<128x128xf32, #tpu.memory_space<vmem>>) offsets(%dma_start3A_122 : memref<128xi32, #tpu.memory_space<vmem>>) semaphore(%arg13 : memref<!tpu.dma_semaphore, #tpu.memory_space<semaphore_mem>>)
      %dma_wait3A_126 = arith.constant 2 : i32
      %dma_wait3A_127 = arith.constant 0 : i32
      %dma_wait3A_128 = tpu.memref_slice %arg8[%dma_wait3A_126, %dma_wait3A_127] : memref<8x128xi32, #tpu.memory_space<vmem>> -> memref<1x128xi32, #tpu.memory_space<vmem>>
      %dma_wait3A_129 = tpu.memref_squeeze %dma_wait3A_128 : memref<1x128xi32, #tpu.memory_space<vmem>> -> memref<128xi32, #tpu.memory_space<vmem>>
      %dma_wait3A_130 = arith.constant 0 : i32
      %dma_wait3A_131 = arith.constant 0 : i32
      %dma_wait3A_132 = tpu.memref_slice %arg2[%dma_wait3A_130, %dma_wait3A_131] : memref<10240x128xf32, #tpu.memory_space<hbm>> -> memref<10240x128xf32, #tpu.memory_space<hbm>>
      tpu.wait_indirect_dma semaphore(%arg12 : memref<!tpu.dma_semaphore, #tpu.memory_space<semaphore_mem>>) src(%dma_wait3A_132 : memref<10240x128xf32, #tpu.memory_space<hbm>>) dst(%arg10 : memref<128x128xf32, #tpu.memory_space<vmem>>)
      %dma_start3A_133 = arith.constant 2 : i32
      %dma_start3A_134 = arith.constant 0 : i32
      %dma_start3A_135 = tpu.memref_slice %arg9[%dma_start3A_133, %dma_start3A_134] : memref<8x128xi32, #tpu.memory_space<vmem>> -> memref<1x128xi32, #tpu.memory_space<vmem>>
      %dma_start3A_136 = tpu.memref_squeeze %dma_start3A_135 : memref<1x128xi32, #tpu.memory_space<vmem>> -> memref<128xi32, #tpu.memory_space<vmem>>
      %dma_start3A_137 = arith.constant 0 : i32
      %dma_start3A_138 = arith.constant 0 : i32
      %dma_start3A_139 = tpu.memref_slice %arg7[%dma_start3A_137, %dma_start3A_138] : memref<10240x128xf32, #tpu.memory_space<vmem_shared>> -> memref<10240x128xf32, #tpu.memory_space<vmem_shared>>
      tpu.enqueue_indirect_dma source(%arg10 : memref<128x128xf32, #tpu.memory_space<vmem>>) target(%dma_start3A_139 : memref<10240x128xf32, #tpu.memory_space<vmem_shared>>) offsets(%dma_start3A_136 : memref<128xi32, #tpu.memory_space<vmem>>) semaphore(%arg14 : memref<!tpu.dma_semaphore, #tpu.memory_space<semaphore_mem>>) {add = true}
      %dma_wait3A_140 = arith.constant 2 : i32
      %dma_wait3A_141 = arith.constant 0 : i32
      %dma_wait3A_142 = tpu.memref_slice %arg9[%dma_wait3A_140, %dma_wait3A_141] : memref<8x128xi32, #tpu.memory_space<vmem>> -> memref<1x128xi32, #tpu.memory_space<vmem>>
      %dma_wait3A_143 = tpu.memref_squeeze %dma_wait3A_142 : memref<1x128xi32, #tpu.memory_space<vmem>> -> memref<128xi32, #tpu.memory_space<vmem>>
      %dma_wait3A_144 = arith.constant 0 : i32
      %dma_wait3A_145 = arith.constant 0 : i32
      %dma_wait3A_146 = tpu.memref_slice %arg7[%dma_wait3A_144, %dma_wait3A_145] : memref<10240x128xf32, #tpu.memory_space<vmem_shared>> -> memref<10240x128xf32, #tpu.memory_space<vmem_shared>>
      tpu.wait_indirect_dma semaphore(%arg14 : memref<!tpu.dma_semaphore, #tpu.memory_space<semaphore_mem>>) src(%arg10 : memref<128x128xf32, #tpu.memory_space<vmem>>) dst(%dma_wait3A_146 : memref<10240x128xf32, #tpu.memory_space<vmem_shared>>)
      %dma_start3A_147 = arith.constant 4 : i32
      %dma_start3A_148 = arith.constant 0 : i32
      %dma_start3A_149 = tpu.memref_slice %arg8[%dma_start3A_147, %dma_start3A_148] : memref<8x128xi32, #tpu.memory_space<vmem>> -> memref<1x128xi32, #tpu.memory_space<vmem>>
      %dma_start3A_150 = tpu.memref_squeeze %dma_start3A_149 : memref<1x128xi32, #tpu.memory_space<vmem>> -> memref<128xi32, #tpu.memory_space<vmem>>
      %dma_start3A_151 = arith.constant 0 : i32
      %dma_start3A_152 = arith.constant 0 : i32
      %dma_start3A_153 = tpu.memref_slice %arg2[%dma_start3A_151, %dma_start3A_152] : memref<10240x128xf32, #tpu.memory_space<hbm>> -> memref<10240x128xf32, #tpu.memory_space<hbm>>
      tpu.enqueue_indirect_dma source(%dma_start3A_153 : memref<10240x128xf32, #tpu.memory_space<hbm>>) target(%arg10 : memref<128x128xf32, #tpu.memory_space<vmem>>) offsets(%dma_start3A_150 : memref<128xi32, #tpu.memory_space<vmem>>) semaphore(%arg12 : memref<!tpu.dma_semaphore, #tpu.memory_space<semaphore_mem>>)
      %dma_wait3A_154 = arith.constant 3 : i32
      %dma_wait3A_155 = arith.constant 0 : i32
      %dma_wait3A_156 = tpu.memref_slice %arg8[%dma_wait3A_154, %dma_wait3A_155] : memref<8x128xi32, #tpu.memory_space<vmem>> -> memref<1x128xi32, #tpu.memory_space<vmem>>
      %dma_wait3A_157 = tpu.memref_squeeze %dma_wait3A_156 : memref<1x128xi32, #tpu.memory_space<vmem>> -> memref<128xi32, #tpu.memory_space<vmem>>
      %dma_wait3A_158 = arith.constant 0 : i32
      %dma_wait3A_159 = arith.constant 0 : i32
      %dma_wait3A_160 = tpu.memref_slice %arg2[%dma_wait3A_158, %dma_wait3A_159] : memref<10240x128xf32, #tpu.memory_space<hbm>> -> memref<10240x128xf32, #tpu.memory_space<hbm>>
      tpu.wait_indirect_dma semaphore(%arg13 : memref<!tpu.dma_semaphore, #tpu.memory_space<semaphore_mem>>) src(%dma_wait3A_160 : memref<10240x128xf32, #tpu.memory_space<hbm>>) dst(%arg11 : memref<128x128xf32, #tpu.memory_space<vmem>>)
      %dma_start3A_161 = arith.constant 3 : i32
      %dma_start3A_162 = arith.constant 0 : i32
      %dma_start3A_163 = tpu.memref_slice %arg9[%dma_start3A_161, %dma_start3A_162] : memref<8x128xi32, #tpu.memory_space<vmem>> -> memref<1x128xi32, #tpu.memory_space<vmem>>
      %dma_start3A_164 = tpu.memref_squeeze %dma_start3A_163 : memref<1x128xi32, #tpu.memory_space<vmem>> -> memref<128xi32, #tpu.memory_space<vmem>>
      %dma_start3A_165 = arith.constant 0 : i32
      %dma_start3A_166 = arith.constant 0 : i32
      %dma_start3A_167 = tpu.memref_slice %arg7[%dma_start3A_165, %dma_start3A_166] : memref<10240x128xf32, #tpu.memory_space<vmem_shared>> -> memref<10240x128xf32, #tpu.memory_space<vmem_shared>>
      tpu.enqueue_indirect_dma source(%arg11 : memref<128x128xf32, #tpu.memory_space<vmem>>) target(%dma_start3A_167 : memref<10240x128xf32, #tpu.memory_space<vmem_shared>>) offsets(%dma_start3A_164 : memref<128xi32, #tpu.memory_space<vmem>>) semaphore(%arg15 : memref<!tpu.dma_semaphore, #tpu.memory_space<semaphore_mem>>) {add = true}
      %dma_wait3A_168 = arith.constant 3 : i32
      %dma_wait3A_169 = arith.constant 0 : i32
      %dma_wait3A_170 = tpu.memref_slice %arg9[%dma_wait3A_168, %dma_wait3A_169] : memref<8x128xi32, #tpu.memory_space<vmem>> -> memref<1x128xi32, #tpu.memory_space<vmem>>
      %dma_wait3A_171 = tpu.memref_squeeze %dma_wait3A_170 : memref<1x128xi32, #tpu.memory_space<vmem>> -> memref<128xi32, #tpu.memory_space<vmem>>
      %dma_wait3A_172 = arith.constant 0 : i32
      %dma_wait3A_173 = arith.constant 0 : i32
      %dma_wait3A_174 = tpu.memref_slice %arg7[%dma_wait3A_172, %dma_wait3A_173] : memref<10240x128xf32, #tpu.memory_space<vmem_shared>> -> memref<10240x128xf32, #tpu.memory_space<vmem_shared>>
      tpu.wait_indirect_dma semaphore(%arg15 : memref<!tpu.dma_semaphore, #tpu.memory_space<semaphore_mem>>) src(%arg11 : memref<128x128xf32, #tpu.memory_space<vmem>>) dst(%dma_wait3A_174 : memref<10240x128xf32, #tpu.memory_space<vmem_shared>>)
      %dma_start3A_175 = arith.constant 5 : i32
      %dma_start3A_176 = arith.constant 0 : i32
      %dma_start3A_177 = tpu.memref_slice %arg8[%dma_start3A_175, %dma_start3A_176] : memref<8x128xi32, #tpu.memory_space<vmem>> -> memref<1x128xi32, #tpu.memory_space<vmem>>
      %dma_start3A_178 = tpu.memref_squeeze %dma_start3A_177 : memref<1x128xi32, #tpu.memory_space<vmem>> -> memref<128xi32, #tpu.memory_space<vmem>>
      %dma_start3A_179 = arith.constant 0 : i32
      %dma_start3A_180 = arith.constant 0 : i32
      %dma_start3A_181 = tpu.memref_slice %arg2[%dma_start3A_179, %dma_start3A_180] : memref<10240x128xf32, #tpu.memory_space<hbm>> -> memref<10240x128xf32, #tpu.memory_space<hbm>>
      tpu.enqueue_indirect_dma source(%dma_start3A_181 : memref<10240x128xf32, #tpu.memory_space<hbm>>) target(%arg11 : memref<128x128xf32, #tpu.memory_space<vmem>>) offsets(%dma_start3A_178 : memref<128xi32, #tpu.memory_space<vmem>>) semaphore(%arg13 : memref<!tpu.dma_semaphore, #tpu.memory_space<semaphore_mem>>)
      %dma_wait3A_182 = arith.constant 4 : i32
      %dma_wait3A_183 = arith.constant 0 : i32
      %dma_wait3A_184 = tpu.memref_slice %arg8[%dma_wait3A_182, %dma_wait3A_183] : memref<8x128xi32, #tpu.memory_space<vmem>> -> memref<1x128xi32, #tpu.memory_space<vmem>>
      %dma_wait3A_185 = tpu.memref_squeeze %dma_wait3A_184 : memref<1x128xi32, #tpu.memory_space<vmem>> -> memref<128xi32, #tpu.memory_space<vmem>>
      %dma_wait3A_186 = arith.constant 0 : i32
      %dma_wait3A_187 = arith.constant 0 : i32
      %dma_wait3A_188 = tpu.memref_slice %arg2[%dma_wait3A_186, %dma_wait3A_187] : memref<10240x128xf32, #tpu.memory_space<hbm>> -> memref<10240x128xf32, #tpu.memory_space<hbm>>
      tpu.wait_indirect_dma semaphore(%arg12 : memref<!tpu.dma_semaphore, #tpu.memory_space<semaphore_mem>>) src(%dma_wait3A_188 : memref<10240x128xf32, #tpu.memory_space<hbm>>) dst(%arg10 : memref<128x128xf32, #tpu.memory_space<vmem>>)
      %dma_start3A_189 = arith.constant 4 : i32
      %dma_start3A_190 = arith.constant 0 : i32
      %dma_start3A_191 = tpu.memref_slice %arg9[%dma_start3A_189, %dma_start3A_190] : memref<8x128xi32, #tpu.memory_space<vmem>> -> memref<1x128xi32, #tpu.memory_space<vmem>>
      %dma_start3A_192 = tpu.memref_squeeze %dma_start3A_191 : memref<1x128xi32, #tpu.memory_space<vmem>> -> memref<128xi32, #tpu.memory_space<vmem>>
      %dma_start3A_193 = arith.constant 0 : i32
      %dma_start3A_194 = arith.constant 0 : i32
      %dma_start3A_195 = tpu.memref_slice %arg7[%dma_start3A_193, %dma_start3A_194] : memref<10240x128xf32, #tpu.memory_space<vmem_shared>> -> memref<10240x128xf32, #tpu.memory_space<vmem_shared>>
      tpu.enqueue_indirect_dma source(%arg10 : memref<128x128xf32, #tpu.memory_space<vmem>>) target(%dma_start3A_195 : memref<10240x128xf32, #tpu.memory_space<vmem_shared>>) offsets(%dma_start3A_192 : memref<128xi32, #tpu.memory_space<vmem>>) semaphore(%arg14 : memref<!tpu.dma_semaphore, #tpu.memory_space<semaphore_mem>>) {add = true}
      %dma_wait3A_196 = arith.constant 4 : i32
      %dma_wait3A_197 = arith.constant 0 : i32
      %dma_wait3A_198 = tpu.memref_slice %arg9[%dma_wait3A_196, %dma_wait3A_197] : memref<8x128xi32, #tpu.memory_space<vmem>> -> memref<1x128xi32, #tpu.memory_space<vmem>>
      %dma_wait3A_199 = tpu.memref_squeeze %dma_wait3A_198 : memref<1x128xi32, #tpu.memory_space<vmem>> -> memref<128xi32, #tpu.memory_space<vmem>>
      %dma_wait3A_200 = arith.constant 0 : i32
      %dma_wait3A_201 = arith.constant 0 : i32
      %dma_wait3A_202 = tpu.memref_slice %arg7[%dma_wait3A_200, %dma_wait3A_201] : memref<10240x128xf32, #tpu.memory_space<vmem_shared>> -> memref<10240x128xf32, #tpu.memory_space<vmem_shared>>
      tpu.wait_indirect_dma semaphore(%arg14 : memref<!tpu.dma_semaphore, #tpu.memory_space<semaphore_mem>>) src(%arg10 : memref<128x128xf32, #tpu.memory_space<vmem>>) dst(%dma_wait3A_202 : memref<10240x128xf32, #tpu.memory_space<vmem_shared>>)
      %dma_start3A_203 = arith.constant 6 : i32
      %dma_start3A_204 = arith.constant 0 : i32
      %dma_start3A_205 = tpu.memref_slice %arg8[%dma_start3A_203, %dma_start3A_204] : memref<8x128xi32, #tpu.memory_space<vmem>> -> memref<1x128xi32, #tpu.memory_space<vmem>>
      %dma_start3A_206 = tpu.memref_squeeze %dma_start3A_205 : memref<1x128xi32, #tpu.memory_space<vmem>> -> memref<128xi32, #tpu.memory_space<vmem>>
      %dma_start3A_207 = arith.constant 0 : i32
      %dma_start3A_208 = arith.constant 0 : i32
      %dma_start3A_209 = tpu.memref_slice %arg2[%dma_start3A_207, %dma_start3A_208] : memref<10240x128xf32, #tpu.memory_space<hbm>> -> memref<10240x128xf32, #tpu.memory_space<hbm>>
      tpu.enqueue_indirect_dma source(%dma_start3A_209 : memref<10240x128xf32, #tpu.memory_space<hbm>>) target(%arg10 : memref<128x128xf32, #tpu.memory_space<vmem>>) offsets(%dma_start3A_206 : memref<128xi32, #tpu.memory_space<vmem>>) semaphore(%arg12 : memref<!tpu.dma_semaphore, #tpu.memory_space<semaphore_mem>>)
      %dma_wait3A_210 = arith.constant 5 : i32
      %dma_wait3A_211 = arith.constant 0 : i32
      %dma_wait3A_212 = tpu.memref_slice %arg8[%dma_wait3A_210, %dma_wait3A_211] : memref<8x128xi32, #tpu.memory_space<vmem>> -> memref<1x128xi32, #tpu.memory_space<vmem>>
      %dma_wait3A_213 = tpu.memref_squeeze %dma_wait3A_212 : memref<1x128xi32, #tpu.memory_space<vmem>> -> memref<128xi32, #tpu.memory_space<vmem>>
      %dma_wait3A_214 = arith.constant 0 : i32
      %dma_wait3A_215 = arith.constant 0 : i32
      %dma_wait3A_216 = tpu.memref_slice %arg2[%dma_wait3A_214, %dma_wait3A_215] : memref<10240x128xf32, #tpu.memory_space<hbm>> -> memref<10240x128xf32, #tpu.memory_space<hbm>>
      tpu.wait_indirect_dma semaphore(%arg13 : memref<!tpu.dma_semaphore, #tpu.memory_space<semaphore_mem>>) src(%dma_wait3A_216 : memref<10240x128xf32, #tpu.memory_space<hbm>>) dst(%arg11 : memref<128x128xf32, #tpu.memory_space<vmem>>)
      %dma_start3A_217 = arith.constant 5 : i32
      %dma_start3A_218 = arith.constant 0 : i32
      %dma_start3A_219 = tpu.memref_slice %arg9[%dma_start3A_217, %dma_start3A_218] : memref<8x128xi32, #tpu.memory_space<vmem>> -> memref<1x128xi32, #tpu.memory_space<vmem>>
      %dma_start3A_220 = tpu.memref_squeeze %dma_start3A_219 : memref<1x128xi32, #tpu.memory_space<vmem>> -> memref<128xi32, #tpu.memory_space<vmem>>
      %dma_start3A_221 = arith.constant 0 : i32
      %dma_start3A_222 = arith.constant 0 : i32
      %dma_start3A_223 = tpu.memref_slice %arg7[%dma_start3A_221, %dma_start3A_222] : memref<10240x128xf32, #tpu.memory_space<vmem_shared>> -> memref<10240x128xf32, #tpu.memory_space<vmem_shared>>
      tpu.enqueue_indirect_dma source(%arg11 : memref<128x128xf32, #tpu.memory_space<vmem>>) target(%dma_start3A_223 : memref<10240x128xf32, #tpu.memory_space<vmem_shared>>) offsets(%dma_start3A_220 : memref<128xi32, #tpu.memory_space<vmem>>) semaphore(%arg15 : memref<!tpu.dma_semaphore, #tpu.memory_space<semaphore_mem>>) {add = true}
      %dma_wait3A_224 = arith.constant 5 : i32
      %dma_wait3A_225 = arith.constant 0 : i32
      %dma_wait3A_226 = tpu.memref_slice %arg9[%dma_wait3A_224, %dma_wait3A_225] : memref<8x128xi32, #tpu.memory_space<vmem>> -> memref<1x128xi32, #tpu.memory_space<vmem>>
      %dma_wait3A_227 = tpu.memref_squeeze %dma_wait3A_226 : memref<1x128xi32, #tpu.memory_space<vmem>> -> memref<128xi32, #tpu.memory_space<vmem>>
      %dma_wait3A_228 = arith.constant 0 : i32
      %dma_wait3A_229 = arith.constant 0 : i32
      %dma_wait3A_230 = tpu.memref_slice %arg7[%dma_wait3A_228, %dma_wait3A_229] : memref<10240x128xf32, #tpu.memory_space<vmem_shared>> -> memref<10240x128xf32, #tpu.memory_space<vmem_shared>>
      tpu.wait_indirect_dma semaphore(%arg15 : memref<!tpu.dma_semaphore, #tpu.memory_space<semaphore_mem>>) src(%arg11 : memref<128x128xf32, #tpu.memory_space<vmem>>) dst(%dma_wait3A_230 : memref<10240x128xf32, #tpu.memory_space<vmem_shared>>)
      %dma_start3A_231 = arith.constant 7 : i32
      %dma_start3A_232 = arith.constant 0 : i32
      %dma_start3A_233 = tpu.memref_slice %arg8[%dma_start3A_231, %dma_start3A_232] : memref<8x128xi32, #tpu.memory_space<vmem>> -> memref<1x128xi32, #tpu.memory_space<vmem>>
      %dma_start3A_234 = tpu.memref_squeeze %dma_start3A_233 : memref<1x128xi32, #tpu.memory_space<vmem>> -> memref<128xi32, #tpu.memory_space<vmem>>
      %dma_start3A_235 = arith.constant 0 : i32
      %dma_start3A_236 = arith.constant 0 : i32
      %dma_start3A_237 = tpu.memref_slice %arg2[%dma_start3A_235, %dma_start3A_236] : memref<10240x128xf32, #tpu.memory_space<hbm>> -> memref<10240x128xf32, #tpu.memory_space<hbm>>
      tpu.enqueue_indirect_dma source(%dma_start3A_237 : memref<10240x128xf32, #tpu.memory_space<hbm>>) target(%arg11 : memref<128x128xf32, #tpu.memory_space<vmem>>) offsets(%dma_start3A_234 : memref<128xi32, #tpu.memory_space<vmem>>) semaphore(%arg13 : memref<!tpu.dma_semaphore, #tpu.memory_space<semaphore_mem>>)
      %dma_wait3A_238 = arith.constant 6 : i32
      %dma_wait3A_239 = arith.constant 0 : i32
      %dma_wait3A_240 = tpu.memref_slice %arg8[%dma_wait3A_238, %dma_wait3A_239] : memref<8x128xi32, #tpu.memory_space<vmem>> -> memref<1x128xi32, #tpu.memory_space<vmem>>
      %dma_wait3A_241 = tpu.memref_squeeze %dma_wait3A_240 : memref<1x128xi32, #tpu.memory_space<vmem>> -> memref<128xi32, #tpu.memory_space<vmem>>
      %dma_wait3A_242 = arith.constant 0 : i32
      %dma_wait3A_243 = arith.constant 0 : i32
      %dma_wait3A_244 = tpu.memref_slice %arg2[%dma_wait3A_242, %dma_wait3A_243] : memref<10240x128xf32, #tpu.memory_space<hbm>> -> memref<10240x128xf32, #tpu.memory_space<hbm>>
      tpu.wait_indirect_dma semaphore(%arg12 : memref<!tpu.dma_semaphore, #tpu.memory_space<semaphore_mem>>) src(%dma_wait3A_244 : memref<10240x128xf32, #tpu.memory_space<hbm>>) dst(%arg10 : memref<128x128xf32, #tpu.memory_space<vmem>>)
      %dma_start3A_245 = arith.constant 6 : i32
      %dma_start3A_246 = arith.constant 0 : i32
      %dma_start3A_247 = tpu.memref_slice %arg9[%dma_start3A_245, %dma_start3A_246] : memref<8x128xi32, #tpu.memory_space<vmem>> -> memref<1x128xi32, #tpu.memory_space<vmem>>
      %dma_start3A_248 = tpu.memref_squeeze %dma_start3A_247 : memref<1x128xi32, #tpu.memory_space<vmem>> -> memref<128xi32, #tpu.memory_space<vmem>>
      %dma_start3A_249 = arith.constant 0 : i32
      %dma_start3A_250 = arith.constant 0 : i32
      %dma_start3A_251 = tpu.memref_slice %arg7[%dma_start3A_249, %dma_start3A_250] : memref<10240x128xf32, #tpu.memory_space<vmem_shared>> -> memref<10240x128xf32, #tpu.memory_space<vmem_shared>>
      tpu.enqueue_indirect_dma source(%arg10 : memref<128x128xf32, #tpu.memory_space<vmem>>) target(%dma_start3A_251 : memref<10240x128xf32, #tpu.memory_space<vmem_shared>>) offsets(%dma_start3A_248 : memref<128xi32, #tpu.memory_space<vmem>>) semaphore(%arg14 : memref<!tpu.dma_semaphore, #tpu.memory_space<semaphore_mem>>) {add = true}
      %dma_wait3A_252 = arith.constant 7 : i32
      %dma_wait3A_253 = arith.constant 0 : i32
      %dma_wait3A_254 = tpu.memref_slice %arg8[%dma_wait3A_252, %dma_wait3A_253] : memref<8x128xi32, #tpu.memory_space<vmem>> -> memref<1x128xi32, #tpu.memory_space<vmem>>
      %dma_wait3A_255 = tpu.memref_squeeze %dma_wait3A_254 : memref<1x128xi32, #tpu.memory_space<vmem>> -> memref<128xi32, #tpu.memory_space<vmem>>
      %dma_wait3A_256 = arith.constant 0 : i32
      %dma_wait3A_257 = arith.constant 0 : i32
      %dma_wait3A_258 = tpu.memref_slice %arg2[%dma_wait3A_256, %dma_wait3A_257] : memref<10240x128xf32, #tpu.memory_space<hbm>> -> memref<10240x128xf32, #tpu.memory_space<hbm>>
      tpu.wait_indirect_dma semaphore(%arg13 : memref<!tpu.dma_semaphore, #tpu.memory_space<semaphore_mem>>) src(%dma_wait3A_258 : memref<10240x128xf32, #tpu.memory_space<hbm>>) dst(%arg11 : memref<128x128xf32, #tpu.memory_space<vmem>>)
      %dma_start3A_259 = arith.constant 7 : i32
      %dma_start3A_260 = arith.constant 0 : i32
      %dma_start3A_261 = tpu.memref_slice %arg9[%dma_start3A_259, %dma_start3A_260] : memref<8x128xi32, #tpu.memory_space<vmem>> -> memref<1x128xi32, #tpu.memory_space<vmem>>
      %dma_start3A_262 = tpu.memref_squeeze %dma_start3A_261 : memref<1x128xi32, #tpu.memory_space<vmem>> -> memref<128xi32, #tpu.memory_space<vmem>>
      %dma_start3A_263 = arith.constant 0 : i32
      %dma_start3A_264 = arith.constant 0 : i32
      %dma_start3A_265 = tpu.memref_slice %arg7[%dma_start3A_263, %dma_start3A_264] : memref<10240x128xf32, #tpu.memory_space<vmem_shared>> -> memref<10240x128xf32, #tpu.memory_space<vmem_shared>>
      tpu.enqueue_indirect_dma source(%arg11 : memref<128x128xf32, #tpu.memory_space<vmem>>) target(%dma_start3A_265 : memref<10240x128xf32, #tpu.memory_space<vmem_shared>>) offsets(%dma_start3A_262 : memref<128xi32, #tpu.memory_space<vmem>>) semaphore(%arg15 : memref<!tpu.dma_semaphore, #tpu.memory_space<semaphore_mem>>) {add = true}
      %dma_wait3A_266 = arith.constant 6 : i32
      %dma_wait3A_267 = arith.constant 0 : i32
      %dma_wait3A_268 = tpu.memref_slice %arg9[%dma_wait3A_266, %dma_wait3A_267] : memref<8x128xi32, #tpu.memory_space<vmem>> -> memref<1x128xi32, #tpu.memory_space<vmem>>
      %dma_wait3A_269 = tpu.memref_squeeze %dma_wait3A_268 : memref<1x128xi32, #tpu.memory_space<vmem>> -> memref<128xi32, #tpu.memory_space<vmem>>
      %dma_wait3A_270 = arith.constant 0 : i32
      %dma_wait3A_271 = arith.constant 0 : i32
      %dma_wait3A_272 = tpu.memref_slice %arg7[%dma_wait3A_270, %dma_wait3A_271] : memref<10240x128xf32, #tpu.memory_space<vmem_shared>> -> memref<10240x128xf32, #tpu.memory_space<vmem_shared>>
      tpu.wait_indirect_dma semaphore(%arg14 : memref<!tpu.dma_semaphore, #tpu.memory_space<semaphore_mem>>) src(%arg10 : memref<128x128xf32, #tpu.memory_space<vmem>>) dst(%dma_wait3A_272 : memref<10240x128xf32, #tpu.memory_space<vmem_shared>>)
      %dma_wait3A_273 = arith.constant 7 : i32
      %dma_wait3A_274 = arith.constant 0 : i32
      %dma_wait3A_275 = tpu.memref_slice %arg9[%dma_wait3A_273, %dma_wait3A_274] : memref<8x128xi32, #tpu.memory_space<vmem>> -> memref<1x128xi32, #tpu.memory_space<vmem>>
      %dma_wait3A_276 = tpu.memref_squeeze %dma_wait3A_275 : memref<1x128xi32, #tpu.memory_space<vmem>> -> memref<128xi32, #tpu.memory_space<vmem>>
      %dma_wait3A_277 = arith.constant 0 : i32
      %dma_wait3A_278 = arith.constant 0 : i32
      %dma_wait3A_279 = tpu.memref_slice %arg7[%dma_wait3A_277, %dma_wait3A_278] : memref<10240x128xf32, #tpu.memory_space<vmem_shared>> -> memref<10240x128xf32, #tpu.memory_space<vmem_shared>>
      tpu.wait_indirect_dma semaphore(%arg15 : memref<!tpu.dma_semaphore, #tpu.memory_space<semaphore_mem>>) src(%arg11 : memref<128x128xf32, #tpu.memory_space<vmem>>) dst(%dma_wait3A_279 : memref<10240x128xf32, #tpu.memory_space<vmem_shared>>)
    }
    %while3A_46 = arith.constant 1 : i32
    scf.for %while3A_52 = %while3A_44 to %while3A_40 step %while3A_46  : i32 {
      %mul3A_53 = arith.muli %while3A_52, %while3A : i32
      %add3A_54 = arith.addi %while3A_37, %mul3A_53 : i32
      %mul3A_55 = arith.constant 8 : i32
      %mul3A_56 = arith.muli %add3A_54, %mul3A_55 : i32
      %add3A_57 = arith.addi %select_n3A, %mul3A_56 : i32
      "tpu.region"() ({
        %run_scoped3A = tpu.sem_alloc : memref<!tpu.dma_semaphore, #tpu.memory_space<semaphore_mem>>
        %dma_start3A_280 = arith.constant 0 : i32
        %dma_start3A_281 = tpu.memref_slice %arg3[%add3A_57, %dma_start3A_280] : memref<2560x128xi32, #tpu.memory_space<hbm>> -> memref<8x128xi32, #tpu.memory_space<hbm>>
        %dma_start3A_282 = arith.constant 0 : i32
        %dma_start3A_283 = tpu.memref_slice %arg3[%add3A_57, %dma_start3A_282] : memref<2560x128xi32, #tpu.memory_space<hbm>> -> memref<8x128xi32, #tpu.memory_space<hbm>>
        tpu.enqueue_dma source(%dma_start3A_283 : memref<8x128xi32, #tpu.memory_space<hbm>>) target(%arg8 : memref<8x128xi32, #tpu.memory_space<vmem>>) target_semaphore(%run_scoped3A : memref<!tpu.dma_semaphore, #tpu.memory_space<semaphore_mem>>)
        %dma_wait3A_284 = arith.constant 0 : i32
        %dma_wait3A_285 = tpu.memref_slice %arg3[%add3A_57, %dma_wait3A_284] : memref<2560x128xi32, #tpu.memory_space<hbm>> -> memref<8x128xi32, #tpu.memory_space<hbm>>
        %dma_wait3A_286 = arith.constant 0 : i32
        %dma_wait3A_287 = tpu.memref_slice %arg3[%add3A_57, %dma_wait3A_286] : memref<2560x128xi32, #tpu.memory_space<hbm>> -> memref<8x128xi32, #tpu.memory_space<hbm>>
        tpu.wait_dma2 semaphore(%run_scoped3A : memref<!tpu.dma_semaphore, #tpu.memory_space<semaphore_mem>>) src(%dma_wait3A_287 : memref<8x128xi32, #tpu.memory_space<hbm>>) dst(%arg8 : memref<8x128xi32, #tpu.memory_space<vmem>>)
        tpu.yield
      }) : () -> ()
      "tpu.region"() ({
        %run_scoped3A = tpu.sem_alloc : memref<!tpu.dma_semaphore, #tpu.memory_space<semaphore_mem>>
        %dma_start3A_280 = arith.constant 0 : i32
        %dma_start3A_281 = tpu.memref_slice %arg4[%add3A_57, %dma_start3A_280] : memref<2560x128xi32, #tpu.memory_space<hbm>> -> memref<8x128xi32, #tpu.memory_space<hbm>>
        %dma_start3A_282 = arith.constant 0 : i32
        %dma_start3A_283 = tpu.memref_slice %arg4[%add3A_57, %dma_start3A_282] : memref<2560x128xi32, #tpu.memory_space<hbm>> -> memref<8x128xi32, #tpu.memory_space<hbm>>
        tpu.enqueue_dma source(%dma_start3A_283 : memref<8x128xi32, #tpu.memory_space<hbm>>) target(%arg9 : memref<8x128xi32, #tpu.memory_space<vmem>>) target_semaphore(%run_scoped3A : memref<!tpu.dma_semaphore, #tpu.memory_space<semaphore_mem>>)
        %dma_wait3A_284 = arith.constant 0 : i32
        %dma_wait3A_285 = tpu.memref_slice %arg4[%add3A_57, %dma_wait3A_284] : memref<2560x128xi32, #tpu.memory_space<hbm>> -> memref<8x128xi32, #tpu.memory_space<hbm>>
        %dma_wait3A_286 = arith.constant 0 : i32
        %dma_wait3A_287 = tpu.memref_slice %arg4[%add3A_57, %dma_wait3A_286] : memref<2560x128xi32, #tpu.memory_space<hbm>> -> memref<8x128xi32, #tpu.memory_space<hbm>>
        tpu.wait_dma2 semaphore(%run_scoped3A : memref<!tpu.dma_semaphore, #tpu.memory_space<semaphore_mem>>) src(%dma_wait3A_287 : memref<8x128xi32, #tpu.memory_space<hbm>>) dst(%arg9 : memref<8x128xi32, #tpu.memory_space<vmem>>)
        tpu.yield
      }) : () -> ()
      %dma_start3A = arith.constant 0 : i32
      %dma_start3A_58 = arith.constant 0 : i32
      %dma_start3A_59 = tpu.memref_slice %arg8[%dma_start3A, %dma_start3A_58] : memref<8x128xi32, #tpu.memory_space<vmem>> -> memref<1x128xi32, #tpu.memory_space<vmem>>
      %dma_start3A_60 = tpu.memref_squeeze %dma_start3A_59 : memref<1x128xi32, #tpu.memory_space<vmem>> -> memref<128xi32, #tpu.memory_space<vmem>>
      %dma_start3A_61 = arith.constant 0 : i32
      %dma_start3A_62 = arith.constant 0 : i32
      %dma_start3A_63 = tpu.memref_slice %arg2[%dma_start3A_61, %dma_start3A_62] : memref<10240x128xf32, #tpu.memory_space<hbm>> -> memref<10240x128xf32, #tpu.memory_space<hbm>>
      tpu.enqueue_indirect_dma source(%dma_start3A_63 : memref<10240x128xf32, #tpu.memory_space<hbm>>) target(%arg10 : memref<128x128xf32, #tpu.memory_space<vmem>>) offsets(%dma_start3A_60 : memref<128xi32, #tpu.memory_space<vmem>>) semaphore(%arg12 : memref<!tpu.dma_semaphore, #tpu.memory_space<semaphore_mem>>)
      %dma_start3A_64 = arith.constant 1 : i32
      %dma_start3A_65 = arith.constant 0 : i32
      %dma_start3A_66 = tpu.memref_slice %arg8[%dma_start3A_64, %dma_start3A_65] : memref<8x128xi32, #tpu.memory_space<vmem>> -> memref<1x128xi32, #tpu.memory_space<vmem>>
      %dma_start3A_67 = tpu.memref_squeeze %dma_start3A_66 : memref<1x128xi32, #tpu.memory_space<vmem>> -> memref<128xi32, #tpu.memory_space<vmem>>
      %dma_start3A_68 = arith.constant 0 : i32
      %dma_start3A_69 = arith.constant 0 : i32
      %dma_start3A_70 = tpu.memref_slice %arg2[%dma_start3A_68, %dma_start3A_69] : memref<10240x128xf32, #tpu.memory_space<hbm>> -> memref<10240x128xf32, #tpu.memory_space<hbm>>
      tpu.enqueue_indirect_dma source(%dma_start3A_70 : memref<10240x128xf32, #tpu.memory_space<hbm>>) target(%arg11 : memref<128x128xf32, #tpu.memory_space<vmem>>) offsets(%dma_start3A_67 : memref<128xi32, #tpu.memory_space<vmem>>) semaphore(%arg13 : memref<!tpu.dma_semaphore, #tpu.memory_space<semaphore_mem>>)
      %dma_wait3A = arith.constant 0 : i32
      %dma_wait3A_71 = arith.constant 0 : i32
      %dma_wait3A_72 = tpu.memref_slice %arg8[%dma_wait3A, %dma_wait3A_71] : memref<8x128xi32, #tpu.memory_space<vmem>> -> memref<1x128xi32, #tpu.memory_space<vmem>>
      %dma_wait3A_73 = tpu.memref_squeeze %dma_wait3A_72 : memref<1x128xi32, #tpu.memory_space<vmem>> -> memref<128xi32, #tpu.memory_space<vmem>>
      %dma_wait3A_74 = arith.constant 0 : i32
      %dma_wait3A_75 = arith.constant 0 : i32
      %dma_wait3A_76 = tpu.memref_slice %arg2[%dma_wait3A_74, %dma_wait3A_75] : memref<10240x128xf32, #tpu.memory_space<hbm>> -> memref<10240x128xf32, #tpu.memory_space<hbm>>
      tpu.wait_indirect_dma semaphore(%arg12 : memref<!tpu.dma_semaphore, #tpu.memory_space<semaphore_mem>>) src(%dma_wait3A_76 : memref<10240x128xf32, #tpu.memory_space<hbm>>) dst(%arg10 : memref<128x128xf32, #tpu.memory_space<vmem>>)
      %dma_start3A_77 = arith.constant 0 : i32
      %dma_start3A_78 = arith.constant 0 : i32
      %dma_start3A_79 = tpu.memref_slice %arg9[%dma_start3A_77, %dma_start3A_78] : memref<8x128xi32, #tpu.memory_space<vmem>> -> memref<1x128xi32, #tpu.memory_space<vmem>>
      %dma_start3A_80 = tpu.memref_squeeze %dma_start3A_79 : memref<1x128xi32, #tpu.memory_space<vmem>> -> memref<128xi32, #tpu.memory_space<vmem>>
      %dma_start3A_81 = arith.constant 0 : i32
      %dma_start3A_82 = arith.constant 0 : i32
      %dma_start3A_83 = tpu.memref_slice %arg7[%dma_start3A_81, %dma_start3A_82] : memref<10240x128xf32, #tpu.memory_space<vmem_shared>> -> memref<10240x128xf32, #tpu.memory_space<vmem_shared>>
      tpu.enqueue_indirect_dma source(%arg10 : memref<128x128xf32, #tpu.memory_space<vmem>>) target(%dma_start3A_83 : memref<10240x128xf32, #tpu.memory_space<vmem_shared>>) offsets(%dma_start3A_80 : memref<128xi32, #tpu.memory_space<vmem>>) semaphore(%arg14 : memref<!tpu.dma_semaphore, #tpu.memory_space<semaphore_mem>>) {add = true}
      %dma_wait3A_84 = arith.constant 0 : i32
      %dma_wait3A_85 = arith.constant 0 : i32
      %dma_wait3A_86 = tpu.memref_slice %arg9[%dma_wait3A_84, %dma_wait3A_85] : memref<8x128xi32, #tpu.memory_space<vmem>> -> memref<1x128xi32, #tpu.memory_space<vmem>>
      %dma_wait3A_87 = tpu.memref_squeeze %dma_wait3A_86 : memref<1x128xi32, #tpu.memory_space<vmem>> -> memref<128xi32, #tpu.memory_space<vmem>>
      %dma_wait3A_88 = arith.constant 0 : i32
      %dma_wait3A_89 = arith.constant 0 : i32
      %dma_wait3A_90 = tpu.memref_slice %arg7[%dma_wait3A_88, %dma_wait3A_89] : memref<10240x128xf32, #tpu.memory_space<vmem_shared>> -> memref<10240x128xf32, #tpu.memory_space<vmem_shared>>
      tpu.wait_indirect_dma semaphore(%arg14 : memref<!tpu.dma_semaphore, #tpu.memory_space<semaphore_mem>>) src(%arg10 : memref<128x128xf32, #tpu.memory_space<vmem>>) dst(%dma_wait3A_90 : memref<10240x128xf32, #tpu.memory_space<vmem_shared>>)
      %dma_start3A_91 = arith.constant 2 : i32
      %dma_start3A_92 = arith.constant 0 : i32
      %dma_start3A_93 = tpu.memref_slice %arg8[%dma_start3A_91, %dma_start3A_92] : memref<8x128xi32, #tpu.memory_space<vmem>> -> memref<1x128xi32, #tpu.memory_space<vmem>>
      %dma_start3A_94 = tpu.memref_squeeze %dma_start3A_93 : memref<1x128xi32, #tpu.memory_space<vmem>> -> memref<128xi32, #tpu.memory_space<vmem>>
      %dma_start3A_95 = arith.constant 0 : i32
      %dma_start3A_96 = arith.constant 0 : i32
      %dma_start3A_97 = tpu.memref_slice %arg2[%dma_start3A_95, %dma_start3A_96] : memref<10240x128xf32, #tpu.memory_space<hbm>> -> memref<10240x128xf32, #tpu.memory_space<hbm>>
      tpu.enqueue_indirect_dma source(%dma_start3A_97 : memref<10240x128xf32, #tpu.memory_space<hbm>>) target(%arg10 : memref<128x128xf32, #tpu.memory_space<vmem>>) offsets(%dma_start3A_94 : memref<128xi32, #tpu.memory_space<vmem>>) semaphore(%arg12 : memref<!tpu.dma_semaphore, #tpu.memory_space<semaphore_mem>>)
      %dma_wait3A_98 = arith.constant 1 : i32
      %dma_wait3A_99 = arith.constant 0 : i32
      %dma_wait3A_100 = tpu.memref_slice %arg8[%dma_wait3A_98, %dma_wait3A_99] : memref<8x128xi32, #tpu.memory_space<vmem>> -> memref<1x128xi32, #tpu.memory_space<vmem>>
      %dma_wait3A_101 = tpu.memref_squeeze %dma_wait3A_100 : memref<1x128xi32, #tpu.memory_space<vmem>> -> memref<128xi32, #tpu.memory_space<vmem>>
      %dma_wait3A_102 = arith.constant 0 : i32
      %dma_wait3A_103 = arith.constant 0 : i32
      %dma_wait3A_104 = tpu.memref_slice %arg2[%dma_wait3A_102, %dma_wait3A_103] : memref<10240x128xf32, #tpu.memory_space<hbm>> -> memref<10240x128xf32, #tpu.memory_space<hbm>>
      tpu.wait_indirect_dma semaphore(%arg13 : memref<!tpu.dma_semaphore, #tpu.memory_space<semaphore_mem>>) src(%dma_wait3A_104 : memref<10240x128xf32, #tpu.memory_space<hbm>>) dst(%arg11 : memref<128x128xf32, #tpu.memory_space<vmem>>)
      %dma_start3A_105 = arith.constant 1 : i32
      %dma_start3A_106 = arith.constant 0 : i32
      %dma_start3A_107 = tpu.memref_slice %arg9[%dma_start3A_105, %dma_start3A_106] : memref<8x128xi32, #tpu.memory_space<vmem>> -> memref<1x128xi32, #tpu.memory_space<vmem>>
      %dma_start3A_108 = tpu.memref_squeeze %dma_start3A_107 : memref<1x128xi32, #tpu.memory_space<vmem>> -> memref<128xi32, #tpu.memory_space<vmem>>
      %dma_start3A_109 = arith.constant 0 : i32
      %dma_start3A_110 = arith.constant 0 : i32
      %dma_start3A_111 = tpu.memref_slice %arg7[%dma_start3A_109, %dma_start3A_110] : memref<10240x128xf32, #tpu.memory_space<vmem_shared>> -> memref<10240x128xf32, #tpu.memory_space<vmem_shared>>
      tpu.enqueue_indirect_dma source(%arg11 : memref<128x128xf32, #tpu.memory_space<vmem>>) target(%dma_start3A_111 : memref<10240x128xf32, #tpu.memory_space<vmem_shared>>) offsets(%dma_start3A_108 : memref<128xi32, #tpu.memory_space<vmem>>) semaphore(%arg15 : memref<!tpu.dma_semaphore, #tpu.memory_space<semaphore_mem>>) {add = true}
      %dma_wait3A_112 = arith.constant 1 : i32
      %dma_wait3A_113 = arith.constant 0 : i32
      %dma_wait3A_114 = tpu.memref_slice %arg9[%dma_wait3A_112, %dma_wait3A_113] : memref<8x128xi32, #tpu.memory_space<vmem>> -> memref<1x128xi32, #tpu.memory_space<vmem>>
      %dma_wait3A_115 = tpu.memref_squeeze %dma_wait3A_114 : memref<1x128xi32, #tpu.memory_space<vmem>> -> memref<128xi32, #tpu.memory_space<vmem>>
      %dma_wait3A_116 = arith.constant 0 : i32
      %dma_wait3A_117 = arith.constant 0 : i32
      %dma_wait3A_118 = tpu.memref_slice %arg7[%dma_wait3A_116, %dma_wait3A_117] : memref<10240x128xf32, #tpu.memory_space<vmem_shared>> -> memref<10240x128xf32, #tpu.memory_space<vmem_shared>>
      tpu.wait_indirect_dma semaphore(%arg15 : memref<!tpu.dma_semaphore, #tpu.memory_space<semaphore_mem>>) src(%arg11 : memref<128x128xf32, #tpu.memory_space<vmem>>) dst(%dma_wait3A_118 : memref<10240x128xf32, #tpu.memory_space<vmem_shared>>)
      %dma_start3A_119 = arith.constant 3 : i32
      %dma_start3A_120 = arith.constant 0 : i32
      %dma_start3A_121 = tpu.memref_slice %arg8[%dma_start3A_119, %dma_start3A_120] : memref<8x128xi32, #tpu.memory_space<vmem>> -> memref<1x128xi32, #tpu.memory_space<vmem>>
      %dma_start3A_122 = tpu.memref_squeeze %dma_start3A_121 : memref<1x128xi32, #tpu.memory_space<vmem>> -> memref<128xi32, #tpu.memory_space<vmem>>
      %dma_start3A_123 = arith.constant 0 : i32
      %dma_start3A_124 = arith.constant 0 : i32
      %dma_start3A_125 = tpu.memref_slice %arg2[%dma_start3A_123, %dma_start3A_124] : memref<10240x128xf32, #tpu.memory_space<hbm>> -> memref<10240x128xf32, #tpu.memory_space<hbm>>
      tpu.enqueue_indirect_dma source(%dma_start3A_125 : memref<10240x128xf32, #tpu.memory_space<hbm>>) target(%arg11 : memref<128x128xf32, #tpu.memory_space<vmem>>) offsets(%dma_start3A_122 : memref<128xi32, #tpu.memory_space<vmem>>) semaphore(%arg13 : memref<!tpu.dma_semaphore, #tpu.memory_space<semaphore_mem>>)
      %dma_wait3A_126 = arith.constant 2 : i32
      %dma_wait3A_127 = arith.constant 0 : i32
      %dma_wait3A_128 = tpu.memref_slice %arg8[%dma_wait3A_126, %dma_wait3A_127] : memref<8x128xi32, #tpu.memory_space<vmem>> -> memref<1x128xi32, #tpu.memory_space<vmem>>
      %dma_wait3A_129 = tpu.memref_squeeze %dma_wait3A_128 : memref<1x128xi32, #tpu.memory_space<vmem>> -> memref<128xi32, #tpu.memory_space<vmem>>
      %dma_wait3A_130 = arith.constant 0 : i32
      %dma_wait3A_131 = arith.constant 0 : i32
      %dma_wait3A_132 = tpu.memref_slice %arg2[%dma_wait3A_130, %dma_wait3A_131] : memref<10240x128xf32, #tpu.memory_space<hbm>> -> memref<10240x128xf32, #tpu.memory_space<hbm>>
      tpu.wait_indirect_dma semaphore(%arg12 : memref<!tpu.dma_semaphore, #tpu.memory_space<semaphore_mem>>) src(%dma_wait3A_132 : memref<10240x128xf32, #tpu.memory_space<hbm>>) dst(%arg10 : memref<128x128xf32, #tpu.memory_space<vmem>>)
      %dma_start3A_133 = arith.constant 2 : i32
      %dma_start3A_134 = arith.constant 0 : i32
      %dma_start3A_135 = tpu.memref_slice %arg9[%dma_start3A_133, %dma_start3A_134] : memref<8x128xi32, #tpu.memory_space<vmem>> -> memref<1x128xi32, #tpu.memory_space<vmem>>
      %dma_start3A_136 = tpu.memref_squeeze %dma_start3A_135 : memref<1x128xi32, #tpu.memory_space<vmem>> -> memref<128xi32, #tpu.memory_space<vmem>>
      %dma_start3A_137 = arith.constant 0 : i32
      %dma_start3A_138 = arith.constant 0 : i32
      %dma_start3A_139 = tpu.memref_slice %arg7[%dma_start3A_137, %dma_start3A_138] : memref<10240x128xf32, #tpu.memory_space<vmem_shared>> -> memref<10240x128xf32, #tpu.memory_space<vmem_shared>>
      tpu.enqueue_indirect_dma source(%arg10 : memref<128x128xf32, #tpu.memory_space<vmem>>) target(%dma_start3A_139 : memref<10240x128xf32, #tpu.memory_space<vmem_shared>>) offsets(%dma_start3A_136 : memref<128xi32, #tpu.memory_space<vmem>>) semaphore(%arg14 : memref<!tpu.dma_semaphore, #tpu.memory_space<semaphore_mem>>) {add = true}
      %dma_wait3A_140 = arith.constant 2 : i32
      %dma_wait3A_141 = arith.constant 0 : i32
      %dma_wait3A_142 = tpu.memref_slice %arg9[%dma_wait3A_140, %dma_wait3A_141] : memref<8x128xi32, #tpu.memory_space<vmem>> -> memref<1x128xi32, #tpu.memory_space<vmem>>
      %dma_wait3A_143 = tpu.memref_squeeze %dma_wait3A_142 : memref<1x128xi32, #tpu.memory_space<vmem>> -> memref<128xi32, #tpu.memory_space<vmem>>
      %dma_wait3A_144 = arith.constant 0 : i32
      %dma_wait3A_145 = arith.constant 0 : i32
      %dma_wait3A_146 = tpu.memref_slice %arg7[%dma_wait3A_144, %dma_wait3A_145] : memref<10240x128xf32, #tpu.memory_space<vmem_shared>> -> memref<10240x128xf32, #tpu.memory_space<vmem_shared>>
      tpu.wait_indirect_dma semaphore(%arg14 : memref<!tpu.dma_semaphore, #tpu.memory_space<semaphore_mem>>) src(%arg10 : memref<128x128xf32, #tpu.memory_space<vmem>>) dst(%dma_wait3A_146 : memref<10240x128xf32, #tpu.memory_space<vmem_shared>>)
      %dma_start3A_147 = arith.constant 4 : i32
      %dma_start3A_148 = arith.constant 0 : i32
      %dma_start3A_149 = tpu.memref_slice %arg8[%dma_start3A_147, %dma_start3A_148] : memref<8x128xi32, #tpu.memory_space<vmem>> -> memref<1x128xi32, #tpu.memory_space<vmem>>
      %dma_start3A_150 = tpu.memref_squeeze %dma_start3A_149 : memref<1x128xi32, #tpu.memory_space<vmem>> -> memref<128xi32, #tpu.memory_space<vmem>>
      %dma_start3A_151 = arith.constant 0 : i32
      %dma_start3A_152 = arith.constant 0 : i32
      %dma_start3A_153 = tpu.memref_slice %arg2[%dma_start3A_151, %dma_start3A_152] : memref<10240x128xf32, #tpu.memory_space<hbm>> -> memref<10240x128xf32, #tpu.memory_space<hbm>>
      tpu.enqueue_indirect_dma source(%dma_start3A_153 : memref<10240x128xf32, #tpu.memory_space<hbm>>) target(%arg10 : memref<128x128xf32, #tpu.memory_space<vmem>>) offsets(%dma_start3A_150 : memref<128xi32, #tpu.memory_space<vmem>>) semaphore(%arg12 : memref<!tpu.dma_semaphore, #tpu.memory_space<semaphore_mem>>)
      %dma_wait3A_154 = arith.constant 3 : i32
      %dma_wait3A_155 = arith.constant 0 : i32
      %dma_wait3A_156 = tpu.memref_slice %arg8[%dma_wait3A_154, %dma_wait3A_155] : memref<8x128xi32, #tpu.memory_space<vmem>> -> memref<1x128xi32, #tpu.memory_space<vmem>>
      %dma_wait3A_157 = tpu.memref_squeeze %dma_wait3A_156 : memref<1x128xi32, #tpu.memory_space<vmem>> -> memref<128xi32, #tpu.memory_space<vmem>>
      %dma_wait3A_158 = arith.constant 0 : i32
      %dma_wait3A_159 = arith.constant 0 : i32
      %dma_wait3A_160 = tpu.memref_slice %arg2[%dma_wait3A_158, %dma_wait3A_159] : memref<10240x128xf32, #tpu.memory_space<hbm>> -> memref<10240x128xf32, #tpu.memory_space<hbm>>
      tpu.wait_indirect_dma semaphore(%arg13 : memref<!tpu.dma_semaphore, #tpu.memory_space<semaphore_mem>>) src(%dma_wait3A_160 : memref<10240x128xf32, #tpu.memory_space<hbm>>) dst(%arg11 : memref<128x128xf32, #tpu.memory_space<vmem>>)
      %dma_start3A_161 = arith.constant 3 : i32
      %dma_start3A_162 = arith.constant 0 : i32
      %dma_start3A_163 = tpu.memref_slice %arg9[%dma_start3A_161, %dma_start3A_162] : memref<8x128xi32, #tpu.memory_space<vmem>> -> memref<1x128xi32, #tpu.memory_space<vmem>>
      %dma_start3A_164 = tpu.memref_squeeze %dma_start3A_163 : memref<1x128xi32, #tpu.memory_space<vmem>> -> memref<128xi32, #tpu.memory_space<vmem>>
      %dma_start3A_165 = arith.constant 0 : i32
      %dma_start3A_166 = arith.constant 0 : i32
      %dma_start3A_167 = tpu.memref_slice %arg7[%dma_start3A_165, %dma_start3A_166] : memref<10240x128xf32, #tpu.memory_space<vmem_shared>> -> memref<10240x128xf32, #tpu.memory_space<vmem_shared>>
      tpu.enqueue_indirect_dma source(%arg11 : memref<128x128xf32, #tpu.memory_space<vmem>>) target(%dma_start3A_167 : memref<10240x128xf32, #tpu.memory_space<vmem_shared>>) offsets(%dma_start3A_164 : memref<128xi32, #tpu.memory_space<vmem>>) semaphore(%arg15 : memref<!tpu.dma_semaphore, #tpu.memory_space<semaphore_mem>>) {add = true}
      %dma_wait3A_168 = arith.constant 3 : i32
      %dma_wait3A_169 = arith.constant 0 : i32
      %dma_wait3A_170 = tpu.memref_slice %arg9[%dma_wait3A_168, %dma_wait3A_169] : memref<8x128xi32, #tpu.memory_space<vmem>> -> memref<1x128xi32, #tpu.memory_space<vmem>>
      %dma_wait3A_171 = tpu.memref_squeeze %dma_wait3A_170 : memref<1x128xi32, #tpu.memory_space<vmem>> -> memref<128xi32, #tpu.memory_space<vmem>>
      %dma_wait3A_172 = arith.constant 0 : i32
      %dma_wait3A_173 = arith.constant 0 : i32
      %dma_wait3A_174 = tpu.memref_slice %arg7[%dma_wait3A_172, %dma_wait3A_173] : memref<10240x128xf32, #tpu.memory_space<vmem_shared>> -> memref<10240x128xf32, #tpu.memory_space<vmem_shared>>
      tpu.wait_indirect_dma semaphore(%arg15 : memref<!tpu.dma_semaphore, #tpu.memory_space<semaphore_mem>>) src(%arg11 : memref<128x128xf32, #tpu.memory_space<vmem>>) dst(%dma_wait3A_174 : memref<10240x128xf32, #tpu.memory_space<vmem_shared>>)
      %dma_start3A_175 = arith.constant 5 : i32
      %dma_start3A_176 = arith.constant 0 : i32
      %dma_start3A_177 = tpu.memref_slice %arg8[%dma_start3A_175, %dma_start3A_176] : memref<8x128xi32, #tpu.memory_space<vmem>> -> memref<1x128xi32, #tpu.memory_space<vmem>>
      %dma_start3A_178 = tpu.memref_squeeze %dma_start3A_177 : memref<1x128xi32, #tpu.memory_space<vmem>> -> memref<128xi32, #tpu.memory_space<vmem>>
      %dma_start3A_179 = arith.constant 0 : i32
      %dma_start3A_180 = arith.constant 0 : i32
      %dma_start3A_181 = tpu.memref_slice %arg2[%dma_start3A_179, %dma_start3A_180] : memref<10240x128xf32, #tpu.memory_space<hbm>> -> memref<10240x128xf32, #tpu.memory_space<hbm>>
      tpu.enqueue_indirect_dma source(%dma_start3A_181 : memref<10240x128xf32, #tpu.memory_space<hbm>>) target(%arg11 : memref<128x128xf32, #tpu.memory_space<vmem>>) offsets(%dma_start3A_178 : memref<128xi32, #tpu.memory_space<vmem>>) semaphore(%arg13 : memref<!tpu.dma_semaphore, #tpu.memory_space<semaphore_mem>>)
      %dma_wait3A_182 = arith.constant 4 : i32
      %dma_wait3A_183 = arith.constant 0 : i32
      %dma_wait3A_184 = tpu.memref_slice %arg8[%dma_wait3A_182, %dma_wait3A_183] : memref<8x128xi32, #tpu.memory_space<vmem>> -> memref<1x128xi32, #tpu.memory_space<vmem>>
      %dma_wait3A_185 = tpu.memref_squeeze %dma_wait3A_184 : memref<1x128xi32, #tpu.memory_space<vmem>> -> memref<128xi32, #tpu.memory_space<vmem>>
      %dma_wait3A_186 = arith.constant 0 : i32
      %dma_wait3A_187 = arith.constant 0 : i32
      %dma_wait3A_188 = tpu.memref_slice %arg2[%dma_wait3A_186, %dma_wait3A_187] : memref<10240x128xf32, #tpu.memory_space<hbm>> -> memref<10240x128xf32, #tpu.memory_space<hbm>>
      tpu.wait_indirect_dma semaphore(%arg12 : memref<!tpu.dma_semaphore, #tpu.memory_space<semaphore_mem>>) src(%dma_wait3A_188 : memref<10240x128xf32, #tpu.memory_space<hbm>>) dst(%arg10 : memref<128x128xf32, #tpu.memory_space<vmem>>)
      %dma_start3A_189 = arith.constant 4 : i32
      %dma_start3A_190 = arith.constant 0 : i32
      %dma_start3A_191 = tpu.memref_slice %arg9[%dma_start3A_189, %dma_start3A_190] : memref<8x128xi32, #tpu.memory_space<vmem>> -> memref<1x128xi32, #tpu.memory_space<vmem>>
      %dma_start3A_192 = tpu.memref_squeeze %dma_start3A_191 : memref<1x128xi32, #tpu.memory_space<vmem>> -> memref<128xi32, #tpu.memory_space<vmem>>
      %dma_start3A_193 = arith.constant 0 : i32
      %dma_start3A_194 = arith.constant 0 : i32
      %dma_start3A_195 = tpu.memref_slice %arg7[%dma_start3A_193, %dma_start3A_194] : memref<10240x128xf32, #tpu.memory_space<vmem_shared>> -> memref<10240x128xf32, #tpu.memory_space<vmem_shared>>
      tpu.enqueue_indirect_dma source(%arg10 : memref<128x128xf32, #tpu.memory_space<vmem>>) target(%dma_start3A_195 : memref<10240x128xf32, #tpu.memory_space<vmem_shared>>) offsets(%dma_start3A_192 : memref<128xi32, #tpu.memory_space<vmem>>) semaphore(%arg14 : memref<!tpu.dma_semaphore, #tpu.memory_space<semaphore_mem>>) {add = true}
      %dma_wait3A_196 = arith.constant 4 : i32
      %dma_wait3A_197 = arith.constant 0 : i32
      %dma_wait3A_198 = tpu.memref_slice %arg9[%dma_wait3A_196, %dma_wait3A_197] : memref<8x128xi32, #tpu.memory_space<vmem>> -> memref<1x128xi32, #tpu.memory_space<vmem>>
      %dma_wait3A_199 = tpu.memref_squeeze %dma_wait3A_198 : memref<1x128xi32, #tpu.memory_space<vmem>> -> memref<128xi32, #tpu.memory_space<vmem>>
      %dma_wait3A_200 = arith.constant 0 : i32
      %dma_wait3A_201 = arith.constant 0 : i32
      %dma_wait3A_202 = tpu.memref_slice %arg7[%dma_wait3A_200, %dma_wait3A_201] : memref<10240x128xf32, #tpu.memory_space<vmem_shared>> -> memref<10240x128xf32, #tpu.memory_space<vmem_shared>>
      tpu.wait_indirect_dma semaphore(%arg14 : memref<!tpu.dma_semaphore, #tpu.memory_space<semaphore_mem>>) src(%arg10 : memref<128x128xf32, #tpu.memory_space<vmem>>) dst(%dma_wait3A_202 : memref<10240x128xf32, #tpu.memory_space<vmem_shared>>)
      %dma_start3A_203 = arith.constant 6 : i32
      %dma_start3A_204 = arith.constant 0 : i32
      %dma_start3A_205 = tpu.memref_slice %arg8[%dma_start3A_203, %dma_start3A_204] : memref<8x128xi32, #tpu.memory_space<vmem>> -> memref<1x128xi32, #tpu.memory_space<vmem>>
      %dma_start3A_206 = tpu.memref_squeeze %dma_start3A_205 : memref<1x128xi32, #tpu.memory_space<vmem>> -> memref<128xi32, #tpu.memory_space<vmem>>
      %dma_start3A_207 = arith.constant 0 : i32
      %dma_start3A_208 = arith.constant 0 : i32
      %dma_start3A_209 = tpu.memref_slice %arg2[%dma_start3A_207, %dma_start3A_208] : memref<10240x128xf32, #tpu.memory_space<hbm>> -> memref<10240x128xf32, #tpu.memory_space<hbm>>
      tpu.enqueue_indirect_dma source(%dma_start3A_209 : memref<10240x128xf32, #tpu.memory_space<hbm>>) target(%arg10 : memref<128x128xf32, #tpu.memory_space<vmem>>) offsets(%dma_start3A_206 : memref<128xi32, #tpu.memory_space<vmem>>) semaphore(%arg12 : memref<!tpu.dma_semaphore, #tpu.memory_space<semaphore_mem>>)
      %dma_wait3A_210 = arith.constant 5 : i32
      %dma_wait3A_211 = arith.constant 0 : i32
      %dma_wait3A_212 = tpu.memref_slice %arg8[%dma_wait3A_210, %dma_wait3A_211] : memref<8x128xi32, #tpu.memory_space<vmem>> -> memref<1x128xi32, #tpu.memory_space<vmem>>
      %dma_wait3A_213 = tpu.memref_squeeze %dma_wait3A_212 : memref<1x128xi32, #tpu.memory_space<vmem>> -> memref<128xi32, #tpu.memory_space<vmem>>
      %dma_wait3A_214 = arith.constant 0 : i32
      %dma_wait3A_215 = arith.constant 0 : i32
      %dma_wait3A_216 = tpu.memref_slice %arg2[%dma_wait3A_214, %dma_wait3A_215] : memref<10240x128xf32, #tpu.memory_space<hbm>> -> memref<10240x128xf32, #tpu.memory_space<hbm>>
      tpu.wait_indirect_dma semaphore(%arg13 : memref<!tpu.dma_semaphore, #tpu.memory_space<semaphore_mem>>) src(%dma_wait3A_216 : memref<10240x128xf32, #tpu.memory_space<hbm>>) dst(%arg11 : memref<128x128xf32, #tpu.memory_space<vmem>>)
      %dma_start3A_217 = arith.constant 5 : i32
      %dma_start3A_218 = arith.constant 0 : i32
      %dma_start3A_219 = tpu.memref_slice %arg9[%dma_start3A_217, %dma_start3A_218] : memref<8x128xi32, #tpu.memory_space<vmem>> -> memref<1x128xi32, #tpu.memory_space<vmem>>
      %dma_start3A_220 = tpu.memref_squeeze %dma_start3A_219 : memref<1x128xi32, #tpu.memory_space<vmem>> -> memref<128xi32, #tpu.memory_space<vmem>>
      %dma_start3A_221 = arith.constant 0 : i32
      %dma_start3A_222 = arith.constant 0 : i32
      %dma_start3A_223 = tpu.memref_slice %arg7[%dma_start3A_221, %dma_start3A_222] : memref<10240x128xf32, #tpu.memory_space<vmem_shared>> -> memref<10240x128xf32, #tpu.memory_space<vmem_shared>>
      tpu.enqueue_indirect_dma source(%arg11 : memref<128x128xf32, #tpu.memory_space<vmem>>) target(%dma_start3A_223 : memref<10240x128xf32, #tpu.memory_space<vmem_shared>>) offsets(%dma_start3A_220 : memref<128xi32, #tpu.memory_space<vmem>>) semaphore(%arg15 : memref<!tpu.dma_semaphore, #tpu.memory_space<semaphore_mem>>) {add = true}
      %dma_wait3A_224 = arith.constant 5 : i32
      %dma_wait3A_225 = arith.constant 0 : i32
      %dma_wait3A_226 = tpu.memref_slice %arg9[%dma_wait3A_224, %dma_wait3A_225] : memref<8x128xi32, #tpu.memory_space<vmem>> -> memref<1x128xi32, #tpu.memory_space<vmem>>
      %dma_wait3A_227 = tpu.memref_squeeze %dma_wait3A_226 : memref<1x128xi32, #tpu.memory_space<vmem>> -> memref<128xi32, #tpu.memory_space<vmem>>
      %dma_wait3A_228 = arith.constant 0 : i32
      %dma_wait3A_229 = arith.constant 0 : i32
      %dma_wait3A_230 = tpu.memref_slice %arg7[%dma_wait3A_228, %dma_wait3A_229] : memref<10240x128xf32, #tpu.memory_space<vmem_shared>> -> memref<10240x128xf32, #tpu.memory_space<vmem_shared>>
      tpu.wait_indirect_dma semaphore(%arg15 : memref<!tpu.dma_semaphore, #tpu.memory_space<semaphore_mem>>) src(%arg11 : memref<128x128xf32, #tpu.memory_space<vmem>>) dst(%dma_wait3A_230 : memref<10240x128xf32, #tpu.memory_space<vmem_shared>>)
      %dma_start3A_231 = arith.constant 7 : i32
      %dma_start3A_232 = arith.constant 0 : i32
      %dma_start3A_233 = tpu.memref_slice %arg8[%dma_start3A_231, %dma_start3A_232] : memref<8x128xi32, #tpu.memory_space<vmem>> -> memref<1x128xi32, #tpu.memory_space<vmem>>
      %dma_start3A_234 = tpu.memref_squeeze %dma_start3A_233 : memref<1x128xi32, #tpu.memory_space<vmem>> -> memref<128xi32, #tpu.memory_space<vmem>>
      %dma_start3A_235 = arith.constant 0 : i32
      %dma_start3A_236 = arith.constant 0 : i32
      %dma_start3A_237 = tpu.memref_slice %arg2[%dma_start3A_235, %dma_start3A_236] : memref<10240x128xf32, #tpu.memory_space<hbm>> -> memref<10240x128xf32, #tpu.memory_space<hbm>>
      tpu.enqueue_indirect_dma source(%dma_start3A_237 : memref<10240x128xf32, #tpu.memory_space<hbm>>) target(%arg11 : memref<128x128xf32, #tpu.memory_space<vmem>>) offsets(%dma_start3A_234 : memref<128xi32, #tpu.memory_space<vmem>>) semaphore(%arg13 : memref<!tpu.dma_semaphore, #tpu.memory_space<semaphore_mem>>)
      %dma_wait3A_238 = arith.constant 6 : i32
      %dma_wait3A_239 = arith.constant 0 : i32
      %dma_wait3A_240 = tpu.memref_slice %arg8[%dma_wait3A_238, %dma_wait3A_239] : memref<8x128xi32, #tpu.memory_space<vmem>> -> memref<1x128xi32, #tpu.memory_space<vmem>>
      %dma_wait3A_241 = tpu.memref_squeeze %dma_wait3A_240 : memref<1x128xi32, #tpu.memory_space<vmem>> -> memref<128xi32, #tpu.memory_space<vmem>>
      %dma_wait3A_242 = arith.constant 0 : i32
      %dma_wait3A_243 = arith.constant 0 : i32
      %dma_wait3A_244 = tpu.memref_slice %arg2[%dma_wait3A_242, %dma_wait3A_243] : memref<10240x128xf32, #tpu.memory_space<hbm>> -> memref<10240x128xf32, #tpu.memory_space<hbm>>
      tpu.wait_indirect_dma semaphore(%arg12 : memref<!tpu.dma_semaphore, #tpu.memory_space<semaphore_mem>>) src(%dma_wait3A_244 : memref<10240x128xf32, #tpu.memory_space<hbm>>) dst(%arg10 : memref<128x128xf32, #tpu.memory_space<vmem>>)
      %dma_start3A_245 = arith.constant 6 : i32
      %dma_start3A_246 = arith.constant 0 : i32
      %dma_start3A_247 = tpu.memref_slice %arg9[%dma_start3A_245, %dma_start3A_246] : memref<8x128xi32, #tpu.memory_space<vmem>> -> memref<1x128xi32, #tpu.memory_space<vmem>>
      %dma_start3A_248 = tpu.memref_squeeze %dma_start3A_247 : memref<1x128xi32, #tpu.memory_space<vmem>> -> memref<128xi32, #tpu.memory_space<vmem>>
      %dma_start3A_249 = arith.constant 0 : i32
      %dma_start3A_250 = arith.constant 0 : i32
      %dma_start3A_251 = tpu.memref_slice %arg7[%dma_start3A_249, %dma_start3A_250] : memref<10240x128xf32, #tpu.memory_space<vmem_shared>> -> memref<10240x128xf32, #tpu.memory_space<vmem_shared>>
      tpu.enqueue_indirect_dma source(%arg10 : memref<128x128xf32, #tpu.memory_space<vmem>>) target(%dma_start3A_251 : memref<10240x128xf32, #tpu.memory_space<vmem_shared>>) offsets(%dma_start3A_248 : memref<128xi32, #tpu.memory_space<vmem>>) semaphore(%arg14 : memref<!tpu.dma_semaphore, #tpu.memory_space<semaphore_mem>>) {add = true}
      %dma_wait3A_252 = arith.constant 7 : i32
      %dma_wait3A_253 = arith.constant 0 : i32
      %dma_wait3A_254 = tpu.memref_slice %arg8[%dma_wait3A_252, %dma_wait3A_253] : memref<8x128xi32, #tpu.memory_space<vmem>> -> memref<1x128xi32, #tpu.memory_space<vmem>>
      %dma_wait3A_255 = tpu.memref_squeeze %dma_wait3A_254 : memref<1x128xi32, #tpu.memory_space<vmem>> -> memref<128xi32, #tpu.memory_space<vmem>>
      %dma_wait3A_256 = arith.constant 0 : i32
      %dma_wait3A_257 = arith.constant 0 : i32
      %dma_wait3A_258 = tpu.memref_slice %arg2[%dma_wait3A_256, %dma_wait3A_257] : memref<10240x128xf32, #tpu.memory_space<hbm>> -> memref<10240x128xf32, #tpu.memory_space<hbm>>
      tpu.wait_indirect_dma semaphore(%arg13 : memref<!tpu.dma_semaphore, #tpu.memory_space<semaphore_mem>>) src(%dma_wait3A_258 : memref<10240x128xf32, #tpu.memory_space<hbm>>) dst(%arg11 : memref<128x128xf32, #tpu.memory_space<vmem>>)
      %dma_start3A_259 = arith.constant 7 : i32
      %dma_start3A_260 = arith.constant 0 : i32
      %dma_start3A_261 = tpu.memref_slice %arg9[%dma_start3A_259, %dma_start3A_260] : memref<8x128xi32, #tpu.memory_space<vmem>> -> memref<1x128xi32, #tpu.memory_space<vmem>>
      %dma_start3A_262 = tpu.memref_squeeze %dma_start3A_261 : memref<1x128xi32, #tpu.memory_space<vmem>> -> memref<128xi32, #tpu.memory_space<vmem>>
      %dma_start3A_263 = arith.constant 0 : i32
      %dma_start3A_264 = arith.constant 0 : i32
      %dma_start3A_265 = tpu.memref_slice %arg7[%dma_start3A_263, %dma_start3A_264] : memref<10240x128xf32, #tpu.memory_space<vmem_shared>> -> memref<10240x128xf32, #tpu.memory_space<vmem_shared>>
      tpu.enqueue_indirect_dma source(%arg11 : memref<128x128xf32, #tpu.memory_space<vmem>>) target(%dma_start3A_265 : memref<10240x128xf32, #tpu.memory_space<vmem_shared>>) offsets(%dma_start3A_262 : memref<128xi32, #tpu.memory_space<vmem>>) semaphore(%arg15 : memref<!tpu.dma_semaphore, #tpu.memory_space<semaphore_mem>>) {add = true}
      %dma_wait3A_266 = arith.constant 6 : i32
      %dma_wait3A_267 = arith.constant 0 : i32
      %dma_wait3A_268 = tpu.memref_slice %arg9[%dma_wait3A_266, %dma_wait3A_267] : memref<8x128xi32, #tpu.memory_space<vmem>> -> memref<1x128xi32, #tpu.memory_space<vmem>>
      %dma_wait3A_269 = tpu.memref_squeeze %dma_wait3A_268 : memref<1x128xi32, #tpu.memory_space<vmem>> -> memref<128xi32, #tpu.memory_space<vmem>>
      %dma_wait3A_270 = arith.constant 0 : i32
      %dma_wait3A_271 = arith.constant 0 : i32
      %dma_wait3A_272 = tpu.memref_slice %arg7[%dma_wait3A_270, %dma_wait3A_271] : memref<10240x128xf32, #tpu.memory_space<vmem_shared>> -> memref<10240x128xf32, #tpu.memory_space<vmem_shared>>
      tpu.wait_indirect_dma semaphore(%arg14 : memref<!tpu.dma_semaphore, #tpu.memory_space<semaphore_mem>>) src(%arg10 : memref<128x128xf32, #tpu.memory_space<vmem>>) dst(%dma_wait3A_272 : memref<10240x128xf32, #tpu.memory_space<vmem_shared>>)
      %dma_wait3A_273 = arith.constant 7 : i32
      %dma_wait3A_274 = arith.constant 0 : i32
      %dma_wait3A_275 = tpu.memref_slice %arg9[%dma_wait3A_273, %dma_wait3A_274] : memref<8x128xi32, #tpu.memory_space<vmem>> -> memref<1x128xi32, #tpu.memory_space<vmem>>
      %dma_wait3A_276 = tpu.memref_squeeze %dma_wait3A_275 : memref<1x128xi32, #tpu.memory_space<vmem>> -> memref<128xi32, #tpu.memory_space<vmem>>
      %dma_wait3A_277 = arith.constant 0 : i32
      %dma_wait3A_278 = arith.constant 0 : i32
      %dma_wait3A_279 = tpu.memref_slice %arg7[%dma_wait3A_277, %dma_wait3A_278] : memref<10240x128xf32, #tpu.memory_space<vmem_shared>> -> memref<10240x128xf32, #tpu.memory_space<vmem_shared>>
      tpu.wait_indirect_dma semaphore(%arg15 : memref<!tpu.dma_semaphore, #tpu.memory_space<semaphore_mem>>) src(%arg11 : memref<128x128xf32, #tpu.memory_space<vmem>>) dst(%dma_wait3A_279 : memref<10240x128xf32, #tpu.memory_space<vmem_shared>>)
    }
    %barrier3A_47 = arith.constant 0 : index
    tpu.barrier barrier_id(%barrier3A_47)
    %mul3A_48 = arith.constant 640 : i32
    %mul3A_49 = arith.muli %arg1, %mul3A_48 : i32
    %mul3A_50 = arith.constant 640 : i32
    %mul3A_51 = arith.muli %arg1, %mul3A_50 : i32
    "tpu.region"() ({
      %run_scoped3A = tpu.sem_alloc : memref<!tpu.dma_semaphore, #tpu.memory_space<semaphore_mem>>
      %dma_start3A = arith.constant 0 : i32
      %dma_start3A_52 = tpu.memref_slice %arg6[%arg0, %mul3A_51, %dma_start3A] : memref<2x10240x128xf32, #tpu.memory_space<hbm>> -> memref<1x640x128xf32, #tpu.memory_space<hbm>>
      %dma_start3A_53 = tpu.memref_squeeze %dma_start3A_52 : memref<1x640x128xf32, #tpu.memory_space<hbm>> -> memref<640x128xf32, #tpu.memory_space<hbm>>
      %dma_start3A_54 = arith.constant 0 : i32
      %dma_start3A_55 = tpu.memref_slice %arg7[%mul3A_49, %dma_start3A_54] : memref<10240x128xf32, #tpu.memory_space<vmem_shared>> -> memref<640x128xf32, #tpu.memory_space<vmem_shared>>
      tpu.enqueue_dma source(%dma_start3A_55 : memref<640x128xf32, #tpu.memory_space<vmem_shared>>) target(%dma_start3A_53 : memref<640x128xf32, #tpu.memory_space<hbm>>) target_semaphore(%run_scoped3A : memref<!tpu.dma_semaphore, #tpu.memory_space<semaphore_mem>>)
      %dma_wait3A = arith.constant 0 : i32
      %dma_wait3A_56 = tpu.memref_slice %arg6[%arg0, %mul3A_51, %dma_wait3A] : memref<2x10240x128xf32, #tpu.memory_space<hbm>> -> memref<1x640x128xf32, #tpu.memory_space<hbm>>
      %dma_wait3A_57 = tpu.memref_squeeze %dma_wait3A_56 : memref<1x640x128xf32, #tpu.memory_space<hbm>> -> memref<640x128xf32, #tpu.memory_space<hbm>>
      %dma_wait3A_58 = arith.constant 0 : i32
      %dma_wait3A_59 = tpu.memref_slice %arg7[%mul3A_49, %dma_wait3A_58] : memref<10240x128xf32, #tpu.memory_space<vmem_shared>> -> memref<640x128xf32, #tpu.memory_space<vmem_shared>>
      tpu.wait_dma2 semaphore(%run_scoped3A : memref<!tpu.dma_semaphore, #tpu.memory_space<semaphore_mem>>) src(%dma_wait3A_59 : memref<640x128xf32, #tpu.memory_space<vmem_shared>>) dst(%dma_wait3A_57 : memref<640x128xf32, #tpu.memory_space<hbm>>)
      tpu.yield
    }) : () -> ()
    return
  }
}

#map = affine_map<(d0, d1) -> (0, 0)>
module attributes {stable_mosaic.version = 14 : i64} {
  func.func @hist(%arg0: i32, %arg1: i32, %arg2: memref<2560x128xi32, #tpu.memory_space<hbm>>, %arg3: memref<32x10240xf32, #tpu.memory_space<hbm>>, %arg4: memref<10240xf32, #tpu.memory_space<vmem>>, %arg5: memref<8x128xi32, #tpu.memory_space<vmem>>) attributes {dimension_semantics = [#tpu.dimension_semantics<core_parallel>, #tpu.dimension_semantics<subcore_parallel>], iteration_bounds = array<i64: 2, 16>, scalar_prefetch = 0 : i64, scratch_operands = 2 : i64, tpu.core_type = #tpu.core_type<sc_vector_subcore>, window_params = [{transform_indices = #map}, {transform_indices = #map}]} {
    %mul3A = arith.constant 2 : i32
    %mul3A_0 = arith.muli %arg1, %mul3A : i32
    %add3A = arith.addi %mul3A_0, %arg0 : i32
    %broadcast_in_dim3A = arith.constant 0.000000e+00 : f32
    %broadcast_in_dim3A_1 = vector.broadcast %broadcast_in_dim3A : f32 to vector<16xf32>
    %broadcast_in_dim3A_2 = arith.constant 1.000000e+00 : f32
    %broadcast_in_dim3A_3 = vector.broadcast %broadcast_in_dim3A_2 : f32 to vector<16xf32>
    %scan3A = arith.constant 0 : i32
    %scan3A_4 = arith.constant 640 : i32
    %scan3A_5 = arith.addi %scan3A, %scan3A_4 : i32
    %scan3A_6 = arith.constant 1 : i32
    scf.for %scan3A_13 = %scan3A to %scan3A_5 step %scan3A_6  : i32 {
      %mul3A_14 = arith.constant 1 : i32
      %mul3A_15 = arith.muli %scan3A_13, %mul3A_14 : i32
      %add3A_16 = arith.constant 0 : i32
      %add3A_17 = arith.addi %add3A_16, %mul3A_15 : i32
      %mul3A_18 = arith.constant 16 : i32
      %mul3A_19 = arith.muli %add3A_17, %mul3A_18 : i32
      %swap3A = arith.index_cast %mul3A_19 : i32 to index
      %swap3A_20 = tpu.vector_load %arg4[%swap3A] {strides = array<i32>} : memref<10240xf32, #tpu.memory_space<vmem>>, vector<16xf32>,
      tpu.vector_store %arg4[%swap3A], %broadcast_in_dim3A_1 {strides = array<i32>} : memref<10240xf32, #tpu.memory_space<vmem>>, vector<16xf32>,
    }
    %scan3A_7 = arith.constant 640 : i32
    %scan3A_8 = arith.constant 0 : i32
    %scan3A_9 = arith.constant 10 : i32
    %scan3A_10 = arith.addi %scan3A_8, %scan3A_9 : i32
    %scan3A_11 = arith.constant 1 : i32
    scf.for %scan3A_13 = %scan3A_8 to %scan3A_10 step %scan3A_11  : i32 {
      %mul3A_14 = arith.constant 1 : i32
      %mul3A_15 = arith.muli %scan3A_13, %mul3A_14 : i32
      %add3A_16 = arith.constant 0 : i32
      %add3A_17 = arith.addi %add3A_16, %mul3A_15 : i32
      %mul3A_18 = arith.constant 80 : i32
      %mul3A_19 = arith.muli %add3A, %mul3A_18 : i32
      %mul3A_20 = arith.constant 8 : i32
      %mul3A_21 = arith.muli %add3A_17, %mul3A_20 : i32
      %add3A_22 = arith.addi %mul3A_19, %mul3A_21 : i32
      "tpu.region"() ({
        %run_scoped3A = tpu.sem_alloc : memref<!tpu.dma_semaphore, #tpu.memory_space<semaphore_mem>>
        %dma_start3A = arith.constant 0 : i32
        %dma_start3A_28 = tpu.memref_slice %arg2[%add3A_22, %dma_start3A] : memref<2560x128xi32, #tpu.memory_space<hbm>> -> memref<8x128xi32, #tpu.memory_space<hbm>>
        %dma_start3A_29 = arith.constant 0 : i32
        %dma_start3A_30 = tpu.memref_slice %arg2[%add3A_22, %dma_start3A_29] : memref<2560x128xi32, #tpu.memory_space<hbm>> -> memref<8x128xi32, #tpu.memory_space<hbm>>
        tpu.enqueue_dma source(%dma_start3A_30 : memref<8x128xi32, #tpu.memory_space<hbm>>) target(%arg5 : memref<8x128xi32, #tpu.memory_space<vmem>>) target_semaphore(%run_scoped3A : memref<!tpu.dma_semaphore, #tpu.memory_space<semaphore_mem>>)
        %dma_wait3A = arith.constant 0 : i32
        %dma_wait3A_31 = tpu.memref_slice %arg2[%add3A_22, %dma_wait3A] : memref<2560x128xi32, #tpu.memory_space<hbm>> -> memref<8x128xi32, #tpu.memory_space<hbm>>
        %dma_wait3A_32 = arith.constant 0 : i32
        %dma_wait3A_33 = tpu.memref_slice %arg2[%add3A_22, %dma_wait3A_32] : memref<2560x128xi32, #tpu.memory_space<hbm>> -> memref<8x128xi32, #tpu.memory_space<hbm>>
        tpu.wait_dma2 semaphore(%run_scoped3A : memref<!tpu.dma_semaphore, #tpu.memory_space<semaphore_mem>>) src(%dma_wait3A_33 : memref<8x128xi32, #tpu.memory_space<hbm>>) dst(%arg5 : memref<8x128xi32, #tpu.memory_space<vmem>>)
        tpu.yield
      }) : () -> ()
      %scan3A_23 = arith.constant 0 : i32
      %scan3A_24 = arith.constant 8 : i32
      %scan3A_25 = arith.addi %scan3A_23, %scan3A_24 : i32
      %scan3A_26 = arith.constant 1 : i32
      scf.for %scan3A_28 = %scan3A_23 to %scan3A_25 step %scan3A_26  : i32 {
        %mul3A_29 = arith.constant 1 : i32
        %mul3A_30 = arith.muli %scan3A_28, %mul3A_29 : i32
        %add3A_31 = arith.constant 0 : i32
        %add3A_32 = arith.addi %add3A_31, %mul3A_30 : i32
        %scan3A_33 = arith.constant 0 : i32
        %scan3A_34 = arith.constant 8 : i32
        %scan3A_35 = arith.addi %scan3A_33, %scan3A_34 : i32
        %scan3A_36 = arith.constant 1 : i32
        scf.for %scan3A_38 = %scan3A_33 to %scan3A_35 step %scan3A_36  : i32 {
          %mul3A_39 = arith.constant 1 : i32
          %mul3A_40 = arith.muli %scan3A_38, %mul3A_39 : i32
          %add3A_41 = arith.constant 0 : i32
          %add3A_42 = arith.addi %add3A_41, %mul3A_40 : i32
          %mul3A_43 = arith.constant 16 : i32
          %mul3A_44 = arith.muli %add3A_42, %mul3A_43 : i32
          %get3A = arith.index_cast %add3A_32 : i32 to index
          %get3A_45 = arith.index_cast %mul3A_44 : i32 to index
          %get3A_46 = tpu.vector_load %arg5[%get3A, %get3A_45] {strides = array<i32>} : memref<8x128xi32, #tpu.memory_space<vmem>>, vector<16xi32>,
          tpu.vector_store_idx %arg4[%get3A_46], %broadcast_in_dim3A_3 {add = true} : memref<10240xf32, #tpu.memory_space<vmem>>[vector<16xi32>], vector<16xf32>,
        }
        %scan3A_37 = arith.constant 8 : i32
      }
      %scan3A_27 = arith.constant 8 : i32
    }
    %scan3A_12 = arith.constant 10 : i32
    "tpu.region"() ({
      %run_scoped3A = tpu.sem_alloc : memref<!tpu.dma_semaphore, #tpu.memory_space<semaphore_mem>>
      %dma_start3A = arith.constant 0 : i32
      %dma_start3A_13 = tpu.memref_slice %arg3[%add3A, %dma_start3A] : memref<32x10240xf32, #tpu.memory_space<hbm>> -> memref<1x10240xf32, #tpu.memory_space<hbm>>
      %dma_start3A_14 = tpu.memref_squeeze %dma_start3A_13 : memref<1x10240xf32, #tpu.memory_space<hbm>> -> memref<10240xf32, #tpu.memory_space<hbm>>
      %dma_start3A_15 = arith.constant 0 : i32
      %dma_start3A_16 = tpu.memref_slice %arg3[%add3A, %dma_start3A_15] : memref<32x10240xf32, #tpu.memory_space<hbm>> -> memref<1x10240xf32, #tpu.memory_space<hbm>>
      %dma_start3A_17 = tpu.memref_squeeze %dma_start3A_16 : memref<1x10240xf32, #tpu.memory_space<hbm>> -> memref<10240xf32, #tpu.memory_space<hbm>>
      tpu.enqueue_dma source(%arg4 : memref<10240xf32, #tpu.memory_space<vmem>>) target(%dma_start3A_17 : memref<10240xf32, #tpu.memory_space<hbm>>) target_semaphore(%run_scoped3A : memref<!tpu.dma_semaphore, #tpu.memory_space<semaphore_mem>>)
      %dma_wait3A = arith.constant 0 : i32
      %dma_wait3A_18 = tpu.memref_slice %arg3[%add3A, %dma_wait3A] : memref<32x10240xf32, #tpu.memory_space<hbm>> -> memref<1x10240xf32, #tpu.memory_space<hbm>>
      %dma_wait3A_19 = tpu.memref_squeeze %dma_wait3A_18 : memref<1x10240xf32, #tpu.memory_space<hbm>> -> memref<10240xf32, #tpu.memory_space<hbm>>
      %dma_wait3A_20 = arith.constant 0 : i32
      %dma_wait3A_21 = tpu.memref_slice %arg3[%add3A, %dma_wait3A_20] : memref<32x10240xf32, #tpu.memory_space<hbm>> -> memref<1x10240xf32, #tpu.memory_space<hbm>>
      %dma_wait3A_22 = tpu.memref_squeeze %dma_wait3A_21 : memref<1x10240xf32, #tpu.memory_space<hbm>> -> memref<10240xf32, #tpu.memory_space<hbm>>
      tpu.wait_dma2 semaphore(%run_scoped3A : memref<!tpu.dma_semaphore, #tpu.memory_space<semaphore_mem>>) src(%arg4 : memref<10240xf32, #tpu.memory_space<vmem>>) dst(%dma_wait3A_22 : memref<10240xf32, #tpu.memory_space<hbm>>)
      tpu.yield
    }) : () -> ()
    return
  }
}

module attributes {stable_mosaic.version = 14 : i64} {
  func.func @_mm_body(%arg0: i32, %arg1: memref<512x128xf32, #tpu.memory_space<vmem>>, %arg2: memref<128x128xf32, #tpu.memory_space<vmem>>, %arg3: memref<1x128xf32, #tpu.memory_space<vmem>>, %arg4: memref<32x512xf32, #tpu.memory_space<vmem>>, %arg5: memref<512x128xf32, #tpu.memory_space<vmem>>) attributes {dimension_semantics = [#tpu.dimension_semantics<arbitrary>], iteration_bounds = array<i64: 20>, scalar_prefetch = 0 : i64, scratch_operands = 0 : i64, tpu.core_type = #tpu.core_type<tc>, window_params = [{transform_indices = @transform_0, window_bounds = array<i64: 512, 128>}, {pipeline_mode = #tpu.pipeline_mode<synchronous>, transform_indices = @transform_1, window_bounds = array<i64: 128, 128>}, {pipeline_mode = #tpu.pipeline_mode<synchronous>, transform_indices = @transform_2, window_bounds = array<i64: 1, 128>}, {transform_indices = @transform_3, window_bounds = array<i64: 32, 512>}, {transform_indices = @transform_4, window_bounds = array<i64: 512, 128>}]} {
    %get3A = arith.constant 0 : index
    %get3A_0 = arith.constant 0 : index
    %get3A_1 = vector.load %arg4[%get3A, %get3A_0] : memref<32x512xf32, #tpu.memory_space<vmem>>, vector<32x512xf32>
    %reduce_sum3A = arith.constant dense<0.000000e+00> : vector<512xf32>
    %reduce_sum3A_2 = vector.multi_reduction <add>, %get3A_1, %reduce_sum3A [0] : vector<32x512xf32> to vector<512xf32>
    %add3A = arith.constant 1.000000e+00 : f32
    %add3A_3 = vector.broadcast %add3A : f32 to vector<512xf32>
    %add3A_4 = arith.addf %reduce_sum3A_2, %add3A_3 : vector<512xf32>
    %rsqrt3A = math.rsqrt %add3A_4 : vector<512xf32>
    %get3A_5 = arith.constant 0 : index
    %get3A_6 = arith.constant 0 : index
    %get3A_7 = vector.load %arg1[%get3A_5, %get3A_6] : memref<512x128xf32, #tpu.memory_space<vmem>>, vector<512x128xf32>
    %get3A_8 = arith.constant 0 : index
    %get3A_9 = arith.constant 0 : index
    %get3A_10 = vector.load %arg2[%get3A_8, %get3A_9] : memref<128x128xf32, #tpu.memory_space<vmem>>, vector<128x128xf32>
    %dot_general3A = arith.constant dense<0.000000e+00> : vector<512x128xf32>
    %dot_general3A_11 = tpu.matmul %get3A_7, %get3A_10, %dot_general3A {dimension_numbers = #tpu.dot_dimension_numbers<[1], [1], [0], [0], [0, 0, 1, 0], [], []>, transpose_lhs_hint = false} : vector<512x128xf32>, vector<128x128xf32>, vector<512x128xf32> -> vector<512x128xf32>
    %get3A_12 = arith.constant 0 : index
    %get3A_13 = arith.constant 0 : index
    %get3A_14 = vector.load %arg3[%get3A_12, %get3A_13] : memref<1x128xf32, #tpu.memory_space<vmem>>, vector<1x128xf32>
    %add3A_15 = vector.broadcast %get3A_14 : vector<1x128xf32> to vector<512x128xf32>
    %add3A_16 = arith.addf %dot_general3A_11, %add3A_15 : vector<512x128xf32>
    %broadcast_in_dim3A = vector.shape_cast %rsqrt3A : vector<512xf32> to vector<512x1xf32>
    %mul3A = vector.broadcast %broadcast_in_dim3A : vector<512x1xf32> to vector<512x128xf32>
    %mul3A_17 = arith.mulf %mul3A, %add3A_16 : vector<512x128xf32>
    %swap3A = arith.constant 0 : index
    %swap3A_18 = arith.constant 0 : index
    %swap3A_19 = vector.load %arg5[%swap3A, %swap3A_18] : memref<512x128xf32, #tpu.memory_space<vmem>>, vector<512x128xf32>
    tpu.vector_store %arg5[%swap3A, %swap3A_18], %mul3A_17 {strides = array<i32>} : memref<512x128xf32, #tpu.memory_space<vmem>>, vector<512x128xf32>,
    return
  }
  func.func @transform_0(%arg0: i32) -> (i32, i32) {
    %c0_i32 = arith.constant 0 : i32
    %c0_i32_0 = arith.constant 0 : i32
    return %arg0, %c0_i32 : i32, i32
  }
  func.func @transform_1(%arg0: i32) -> (i32, i32) {
    %c0_i32 = arith.constant 0 : i32
    %c0_i32_0 = arith.constant 0 : i32
    %c0_i32_1 = arith.constant 0 : i32
    return %c0_i32, %c0_i32_0 : i32, i32
  }
  func.func @transform_2(%arg0: i32) -> (i32, i32) {
    %c0_i32 = arith.constant 0 : i32
    %c0_i32_0 = arith.constant 0 : i32
    %c0_i32_1 = arith.constant 0 : i32
    return %c0_i32, %c0_i32_0 : i32, i32
  }
  func.func @transform_3(%arg0: i32) -> (i32, i32) {
    %c0_i32 = arith.constant 0 : i32
    %c0_i32_0 = arith.constant 0 : i32
    return %c0_i32, %arg0 : i32, i32
  }
  func.func @transform_4(%arg0: i32) -> (i32, i32) {
    %c0_i32 = arith.constant 0 : i32
    %c0_i32_0 = arith.constant 0 : i32
    return %arg0, %c0_i32 : i32, i32
  }
}

module attributes {stable_mosaic.version = 14 : i64} {
  func.func @_ep_body(%arg0: i32, %arg1: memref<512x128xf32, #tpu.memory_space<vmem>>, %arg2: memref<512x128xf32, #tpu.memory_space<vmem>>, %arg3: memref<512x128xf32, #tpu.memory_space<vmem>>, %arg4: memref<32x512xf32, #tpu.memory_space<vmem>>, %arg5: memref<512x128xf32, #tpu.memory_space<vmem>>) attributes {dimension_semantics = [#tpu.dimension_semantics<arbitrary>], iteration_bounds = array<i64: 20>, scalar_prefetch = 0 : i64, scratch_operands = 0 : i64, tpu.core_type = #tpu.core_type<tc>, window_params = [{transform_indices = @transform_0, window_bounds = array<i64: 512, 128>}, {transform_indices = @transform_1, window_bounds = array<i64: 512, 128>}, {transform_indices = @transform_2, window_bounds = array<i64: 512, 128>}, {transform_indices = @transform_3, window_bounds = array<i64: 32, 512>}, {transform_indices = @transform_4, window_bounds = array<i64: 512, 128>}]} {
    %get3A = arith.constant 0 : index
    %get3A_0 = arith.constant 0 : index
    %get3A_1 = vector.load %arg4[%get3A, %get3A_0] : memref<32x512xf32, #tpu.memory_space<vmem>>, vector<32x512xf32>
    %reduce_sum3A = arith.constant dense<0.000000e+00> : vector<512xf32>
    %reduce_sum3A_2 = vector.multi_reduction <add>, %get3A_1, %reduce_sum3A [0] : vector<32x512xf32> to vector<512xf32>
    %add3A = arith.constant 1.000000e+00 : f32
    %add3A_3 = vector.broadcast %add3A : f32 to vector<512xf32>
    %add3A_4 = arith.addf %reduce_sum3A_2, %add3A_3 : vector<512xf32>
    %rsqrt3A = math.rsqrt %add3A_4 : vector<512xf32>
    %broadcast_in_dim3A = vector.shape_cast %rsqrt3A : vector<512xf32> to vector<512x1xf32>
    %get3A_5 = arith.constant 0 : index
    %get3A_6 = arith.constant 0 : index
    %get3A_7 = vector.load %arg2[%get3A_5, %get3A_6] : memref<512x128xf32, #tpu.memory_space<vmem>>, vector<512x128xf32>
    %get3A_8 = arith.constant 0 : index
    %get3A_9 = arith.constant 0 : index
    %get3A_10 = vector.load %arg3[%get3A_8, %get3A_9] : memref<512x128xf32, #tpu.memory_space<vmem>>, vector<512x128xf32>
    %add3A_11 = arith.addf %get3A_7, %get3A_10 : vector<512x128xf32>
    %get3A_12 = arith.constant 0 : index
    %get3A_13 = arith.constant 0 : index
    %get3A_14 = vector.load %arg1[%get3A_12, %get3A_13] : memref<512x128xf32, #tpu.memory_space<vmem>>, vector<512x128xf32>
    %add3A_15 = arith.addf %add3A_11, %get3A_14 : vector<512x128xf32>
    %mul3A = vector.broadcast %broadcast_in_dim3A : vector<512x1xf32> to vector<512x128xf32>
    %mul3A_16 = arith.mulf %mul3A, %add3A_15 : vector<512x128xf32>
    %swap3A = arith.constant 0 : index
    %swap3A_17 = arith.constant 0 : index
    %swap3A_18 = vector.load %arg5[%swap3A, %swap3A_17] : memref<512x128xf32, #tpu.memory_space<vmem>>, vector<512x128xf32>
    tpu.vector_store %arg5[%swap3A, %swap3A_17], %mul3A_16 {strides = array<i32>} : memref<512x128xf32, #tpu.memory_space<vmem>>, vector<512x128xf32>,
    return
  }
  func.func @transform_0(%arg0: i32) -> (i32, i32) {
    %c0_i32 = arith.constant 0 : i32
    %c0_i32_0 = arith.constant 0 : i32
    return %arg0, %c0_i32 : i32, i32
  }
  func.func @transform_1(%arg0: i32) -> (i32, i32) {
    %c0_i32 = arith.constant 0 : i32
    %c0_i32_0 = arith.constant 0 : i32
    return %arg0, %c0_i32 : i32, i32
  }
  func.func @transform_2(%arg0: i32) -> (i32, i32) {
    %c0_i32 = arith.constant 0 : i32
    %c0_i32_0 = arith.constant 0 : i32
    return %arg0, %c0_i32 : i32, i32
  }
  func.func @transform_3(%arg0: i32) -> (i32, i32) {
    %c0_i32 = arith.constant 0 : i32
    %c0_i32_0 = arith.constant 0 : i32
    return %c0_i32, %arg0 : i32, i32
  }
  func.func @transform_4(%arg0: i32) -> (i32, i32) {
    %c0_i32 = arith.constant 0 : i32
    %c0_i32_0 = arith.constant 0 : i32
    return %arg0, %c0_i32 : i32, i32
  }
}

</mosaic_0001>

<sc_bundles>
// kernel: kernel.6.cloned.1.call-start
scs
__scs_entry_jumppad:
0x0: {  	(pc) =	sbr.rel $0x88, $3  }
0x1: {  	(tag) =	ssettag $0x0;
	lr =	simm.s32 $0x1  }
0x2: {  	[smem:$0x3F9D] =	sst lr;
	_ =	strace $0xD0000000  }
0x3: {  	_ = 	snop  }
0x4: {  	_ = 	snop  }
0x5: {  	_ = 	snop  }
0x6: {  	_ = 	snop  }
0x7: {  	_ = 	snop  }
__scs_overlays_trampoline_lowered:
0x8: {  	[smem:$0x3FAC] =	sst s0  }
0x9: {  	[smem:$0x3FAD] =	sst s1  }
0xa: {  	[smem:$0x3FAE] =	sst s2  }
0xb: {  	[smem:$0x3FAF] =	sst s3  }
0xc: {  	[smem:$0x3FB0] =	sst s4  }
0xd: {  	[smem:$0x3FB1] =	sst s5  }
0xe: {  	[smem:$0x3FB2] =	sst s6  }
0xf: {  	[smem:$0x3FB3] =	sst s7  }
0x10: {  	[smem:$0x3FB4] =	sst s8  }
0x11: {  	[smem:$0x3FB5] =	sst s9;
	s0 =	simm.s32 @!p0 $0x0  }
0x12: {  	s1 =	sld [smem:$0x3F9B];
	s0 =	simm.s32 @p0 $0x1  }
0x13: {  	[smem:$0x3FB6] =	sst s0;
	s0 =	simm.s32 @!p1 $0x0  }
0x14: {  	s2 =	sld [smem:$0x3F9A];
	s0 =	simm.s32 @p1 $0x1  }
0x15: {  	[smem:$0x3FB7] =	sst s0;
	s0 =	simm.s32 @!p2 $0x0  }
0x16: {  	s3 =	sld [smem:$0x3FDB];
	s0 =	simm.s32 @p2 $0x1  }
0x17: {  	s4 =	simm.s32 $0x1BF5;
	[smem:$0x3FB9] =	sst s0  }
0x18: {  	s0 =	sld [smem:$0x3F9C];
	_ =	swait.ge [sflag:s4], $0x0  }
0x19: {  	s7 =	sld [smem:$0x3F9D]  }
0x1a: {  	s8 =	sadd.s32 $0xFFFFE003, lr  }
0x1b: {  	s9 =	sadd.s32 $0xFFFFFEF7, lr;
	s5 =	simm.s32 $0xFFFFFFFF;
	p2 =	slt.u32 s8, $0xFFFFF086  }
0x1c: {  	p1 =	slt.u32 s9, $0xF7A;
	s5 =	simm.s32 @!p2 $0x0  }
0x1d: {  	s5 =	simm.s32 @p1 $0x1;
	p0 =	seq.s32 s7, s2  }
0x1e: {  	s7 =	smul.u32 @!p0 $0xF7A, s2;
	p2 =	seq.s32 @!p0 s5, $0x0  }
0x1f: {  	s9 =	smul.u32 $0xF7A, s1;
	s8 =	simm.s32 @!p0 $0x1BF5;
	p2 =	por !p2, p0  }
0x20: {  	[sflag:s8] =	ssyncset.s32 @!p0 $0xFFFFF086;
	s6 =	sadd.s32 @!p0 s3, s7;
	s7 =	simm.s32 @!p0 $0x108  }
0x21: {  	s3 =	sadd.s32 s3, s9;
	s6 =	sadd.s32 @!p0 $0x88, s6;
	s7 =	simm.s32 @p2 $0x1082  }
0x22: {  	[simem:s7], [sflag:s8] =	dma.local @!p0 [hbm:s6], $0xF7A  }
0x23: {  	s9 =	sor.u32 $0xD0000000, s2;
	s6 =	simm.s32 $0x108;
	_ =	swait.ge @!p0 [sflag:s8], $0x0  }
0x24: {  	s3 =	sadd.s32 $0x88, s3;
	s6 =	simm.s32 @!p1 $0x1082;
	[sflag:s4] =	ssyncset.s32 $0xFFFFF086  }
0x25: {  	[simem:s6], [sflag:s4] =	dma.local [hbm:s3], $0xF7A  }
0x26: {  	[smem:$0x3F9D] =	sst s1;
	(tag) =	ssettag s2;
	_ =	strace s9  }
0x27: {  	s1 =	sld [smem:$0x3FAD]  }
0x28: {  	s2 =	sld [smem:$0x3FAE]  }
0x29: {  	s4 =	sld [smem:$0x3FB0]  }
0x2a: {  	p0 =	seq.s32 s5, $0x0;
	s5 =	sld [smem:$0x3FB1]  }
0x2b: {  	s6 =	sld [smem:$0x3FB2]  }
0x2c: {  	s7 =	sld [smem:$0x3FB3]  }
0x2d: {  	s3 =	simm.s32 $0x108;
	s8 =	sld [smem:$0x3FB4]  }
0x2e: {  	s3 =	simm.s32 @!p0 $0x1082;
	s9 =	sld [smem:$0x3FB5]  }
0x2f: {  	lr =	sadd.s32 s0, s3;
	s0 =	sld [smem:$0x3FAC]  }
0x30: {  	s3 =	sld [smem:$0x3FAF]  }
0x31: {  	[smem:$0x3FB8] =	sst s10  }
0x32: {  	s10 =	sld [smem:$0x3FB6];
	_ =	sdelay $0x3  }
0x33: {  	p0 =	seq.s32 s10, $0x1;
	s10 =	sld [smem:$0x3FB8];
	_ =	sdelay $0x3  }
0x34: {  	[smem:$0x3FB8] =	sst s10  }
0x35: {  	s10 =	sld [smem:$0x3FB7];
	_ =	sdelay $0x3  }
0x36: {  	p1 =	seq.s32 s10, $0x1;
	s10 =	sld [smem:$0x3FB8];
	_ =	sdelay $0x3  }
0x37: {  	[smem:$0x3FB8] =	sst s10  }
0x38: {  	s10 =	sld [smem:$0x3FB9]  }
0x39: {  	_ = 	snop;
	(pc) =	sbr.ind lr, $3  }
0x3a: {  	_ = 	snop  }
0x3b: {  	_ = 	snop  }
0x3c: {  	p2 =	seq.s32 s10, $0x1;
	s10 =	sld [smem:$0x3FB8]  }
0x3d: {  	_ =	shalt  }
0x3e: {  	_ =	shalt  }
0x3f: {  	_ =	shalt  }
0x40: {  	_ =	shalt  }
0x41: {  	_ =	shalt  }
0x42: {  	_ =	shalt  }
0x43: {  	_ =	shalt  }
0x44: {  	_ =	shalt  }
0x45: {  	_ =	shalt  }
0x46: {  	_ =	shalt  }
0x47: {  	_ =	shalt  }
0x48: {  	_ =	shalt  }
0x49: {  	_ =	shalt  }
0x4a: {  	_ =	shalt  }
0x4b: {  	_ =	shalt  }
0x4c: {  	_ =	shalt  }
0x4d: {  	_ =	shalt  }
0x4e: {  	_ =	shalt  }
0x4f: {  	_ =	shalt  }
0x50: {  	_ =	shalt  }
0x51: {  	_ =	shalt  }
0x52: {  	_ =	shalt  }
0x53: {  	_ =	shalt  }
0x54: {  	_ =	shalt  }
0x55: {  	_ =	shalt  }
0x56: {  	_ =	shalt  }
0x57: {  	_ =	shalt  }
0x58: {  	_ =	shalt  }
0x59: {  	_ =	shalt  }
0x5a: {  	_ =	shalt  }
0x5b: {  	_ =	shalt  }
0x5c: {  	_ =	shalt  }
0x5d: {  	_ =	shalt  }
0x5e: {  	_ =	shalt  }
0x5f: {  	_ =	shalt  }
0x60: {  	_ =	shalt  }
0x61: {  	_ =	shalt  }
0x62: {  	_ =	shalt  }
0x63: {  	_ =	shalt  }
0x64: {  	_ =	shalt  }
0x65: {  	_ =	shalt  }
0x66: {  	_ =	shalt  }
0x67: {  	_ =	shalt  }
0x68: {  	_ =	shalt  }
0x69: {  	_ =	shalt  }
0x6a: {  	_ =	shalt  }
0x6b: {  	_ =	shalt  }
0x6c: {  	_ =	shalt  }
0x6d: {  	_ =	shalt  }
0x6e: {  	_ =	shalt  }
0x6f: {  	_ =	shalt  }
0x70: {  	_ =	shalt  }
0x71: {  	_ =	shalt  }
0x72: {  	_ =	shalt  }
0x73: {  	_ =	shalt  }
0x74: {  	_ =	shalt  }
0x75: {  	_ =	shalt  }
0x76: {  	_ =	shalt  }
0x77: {  	_ =	shalt  }
0x78: {  	_ =	shalt  }
0x79: {  	_ =	shalt  }
0x7a: {  	_ =	shalt  }
0x7b: {  	_ =	shalt  }
0x7c: {  	_ =	shalt  }
0x7d: {  	_ =	shalt  }
0x7e: {  	_ =	shalt  }
0x7f: {  	_ =	shalt  }
0x80: {  	_ =	shalt  }
0x81: {  	_ =	shalt  }
0x82: {  	_ =	shalt  }
0x83: {  	_ =	shalt  }
0x84: {  	_ =	shalt  }
0x85: {  	_ =	shalt  }
0x86: {  	_ =	shalt  }
0x87: {  	_ =	shalt  }
.Lfunc_end0:
.L_simem_size_0:
called_computation_lowered:
.L_overlay_start_0:
0x88: {  	s2 =	sld [smem:$0x3FD9]  }
0x89: {  	s3 =	sld [smem:$0x3FFE];
	_ =	sdelay $0x1  }
0x8a: {  	s1 =	srdreg.scid  }
0x8b: {  	s0 =	sand.u32 $0x1, s1  }
0x8c: {  	s17 =	sshll.u32 s0, $0xA;
	s2 =	sadd.s32 s3, s2  }
0x8d: {  	s2 =	sadd.s32 s2, s17  }
0x8e: {  	[smem:$0x3FC4] =	sst s2  }
0x8f: {  	_ = 	snop  }
0x90: {  	s2 =	sld [smem:$0x3FD0];
	(tm) =	ssettm $0x1  }
0x91: {  	s18 =	sld [smem:$0x3FFB];
	_ =	sdelay $0x3  }
0x92: {  	_ =	strace s18  }
0x93: {  	s3 =	sld [smem:$0x3FFC];
	_ =	sdelay $0x3  }
0x94: {  	_ =	strace s3  }
0x95: {  	s3 =	sld [smem:$0x3FFD];
	_ =	sdelay $0x3  }
0x96: {  	_ =	strace s3  }
0x97: {  	_ =	strace $0x8FFFFFFF  }
0x98: {  	s19 =	sld [smem:$0x3FDB];
	_ =	sdelay $0x1  }
0x99: {  	s4 =	simm.s32 $_scs_section_size  }
0x9a: {  	s5 =	simm.s32 $_size__tile_overlayer_lowered;
	s6 =	simm.s32 $_tile_overlayer_lowered  }
0x9b: {  	s22 =	simm.s32 $0x1BFF;
	s21 =	sshll.u32 s6, $0x1;
	s3 =	sadd.s32 s4, s19  }
0x9c: {  	s7 =	simm.s32 $0x0;
	s20 =	sshll.u32 s5, $0x1;
	s5 =	sadd.s32 s21, s3  }
0x9d: {  	[timem:s7], [sflag:s22] =	dma.local [hbm:s5], s20  }
0x9e: {  	_ =	swait.ge [sflag:s22], s20  }
0x9f: {  	s4 =	ssub.s32 $0x0, s20;
	[sflag:s22] =	ssyncset.done $0x0  }
0xa0: {  	[sflag:s22] =	ssyncadd.s32 s4;
	_ =	sdelay $0x1  }
0xa1: {  	s23 =	simm.s32 $0x1B8B  }
0xa2: {  	_ =	swait.ge [sflag:s23], $0x1  }
0xa3: {  	[sflag:s23] =	ssyncset.done $0x0  }
0xa4: {  	s25 =	simm.s32 $0x1B8E;
	s24 =	sld [smem:$0x3FFE];
	[sflag:s23] =	ssyncadd.s32 $0xFFFFFFFF  }
0xa5: {  	s26 =	simm.s32 $execute0_lowered;
	[smem:$0x3FD2] =	sst s25  }
0xa6: {  	s5 =	sshll.u32 s26, $0x1;
	_ =	strace $0x80000046;
	[dreg:$0x1] =	wrdreg $0xFFFFFFFF  }
0xa7: {  	s28 =	simm.s32 $_size_execute0_lowered;
	s3 =	sadd.s32 s3, s5;
	[dreg:$0x0] =	wrdreg $0x0  }
0xa8: {  	s5 =	sshll.u32 s28, $0x1;
	[dreg:$0x2] =	wrdreg s3  }
0xa9: {  	[dreg:$0x3] =	wrdreg s5  }
0xaa: {  	[dreg:$0x4] =	wrdreg $0xC0  }
0xab: {  	_ =	task [dreg:s7], $0x5FFFF  }
0xac: {  	[dreg:$0x1] =	wrdreg $0xFFFFFFFF  }
0xad: {  	[dreg:$0x0] =	wrdreg $0x60  }
0xae: {  	[dreg:$0x2] =	wrdreg s2  }
0xaf: {  	[dreg:$0x3] =	wrdreg s24  }
0xb0: {  	[dreg:$0x4] =	wrdreg $0x9  }
0xb1: {  	_ =	task.clear_ibuf [dreg:s7], $0x5FFFF;
	_ =	strace $0x90000046  }
0xb2: {  	s29 =	simm.s32 $0x9;
	_ =	strace $0x80000048  }
0xb3: {  	_ =	swait.ge [sflag:s29], $0x1  }
0xb4: {  	[sflag:s29] =	ssyncadd.s32 $0xFFFFFFFF  }
0xb5: {  	_ =	strace $0x90000048  }
0xb6: {  	_ =	sfence  }
0xb7: {  	s30 =	sld [smem:$0x0];
	_ =	sdelay $0x2  }
0xb8: {  	s31 =	sshll.u32 s1, $0xD;
	s1 =	sshrl.u32 s1, $0x2  }
0xb9: {  	s3 =	sand.u32 $0x4000, s31;
	s1 =	sadd.s32 s1, s30  }
0xba: {  	s0 =	sor.u32 s3, s0;
	s1 =	sshll.u32 s1, $0x11  }
0xbb: {  	s0 =	sor.u32 s1, s0  }
0xbc: {  	s0 =	sadd.s32 $0x8F2B, s0  }
0xbd: {  	[sflag:s0] =	ssyncadd.remote.s32 $0x1  }
0xbe: {  	_ =	sfence.sel $0xFFFF  }
0xbf: {  	[dreg:$0x0] =	wrdreg $0xFFFFFFFF;
	(pc) =	sbr.abs _section_cstart, $3  }
0xc0: {  	[dreg:$0x1] =	wrdreg $0xFFFFFFFF  }
0xc1: {  	_ =	task.clear_ibuf [dreg:s7], $0x2FFFF;
	_ =	strace $0x9FFFFFFF  }
0xc2: {  	(tm) =	ssettm $0x7FFFFFFF  }
0xc3: {  	_ =	shalt  }
tec
execute0_lowered:
.L_overlay_start_1:
0x0: {  	(tag) =	ssettag $0x1  }
0x1: {  	s5 =	rddreg [dreg:$0x0]  }
0x2: {  	s3 =	rddreg [dreg:$0x1];
	s2 =	srdreg.scid  }
0x3: {  	s0 =	rddreg [dreg:$0x2];
	s1 =	stileid.u32  }
0x4: {  	s10 =	simm.s32 $0x0;
	s4 =	sand.u32 $0x1, s2;
	s6 =	sshrl.u32 s1, $0x2  }
0x5: {  	s7 =	sshll.u32 s1, $0x8;
	s2 =	simm.s32 $0x0;
	s9 =	smul.u32 $0xA00, s1  }
0x6: {  	s8 =	sshll.u32 s4, $0x7;
	s6 =	smul.u32 $0x14000, s6;
	[smem:$0x7FF] =	sst s2  }
0x7: {  	s28 =	ssub.s32 $0x2, s4;
	s31 =	smul.u32 $0x500, s4;
	s7 =	sor.u32 s8, s7  }
0x8: {  	_ =	strace $0x80000047;
	s29 =	sshrl.u32 s28, $0x1;
	s7 =	sand.u32 $0x380, s7  }
0x9: {  	s5 =	sadd.s32 s9, s5;
	s8 =	simm.s32 $0x80;
	s6 =	sor.u32 s6, s7  }
0xa: {  	s9 =	simm.s32 $0x400;
	s30 =	ssub.s32 s28, s29;
	s6 =	sshrl.u32 s6, $0x3  }
0xb: {  	s5 =	sadd.s32 s31, s5;
	s4 =	smax.u32 s30, $0x1;
	s3 =	sadd.s32 s6, s3  }
0xc: {  	v0 =	vimm.f32 $0.0e+00;
	v1 =	vimm.f32 $1.000000000e+00;
	s7 =	simm.s32 $0x1;
	s6 =	simm.s32 $0x2800;
	s3 =	sadd.s32 $0xB600, s3  }
.LBB2_1:
0xd: {  	s11 =	simm.s32 $0x0  }
.LBB2_2:
0xe: {  	p0 =	sne.s32 s11, $0x9FC0  }
.Ltmp0:
0xf: {  	_ = 	snop;
	(pc) =	sbr.rel @p0 .LBB2_2-.Ltmp0, $3  }
0x10: {  	_ =	sdelay $0x1  }
0x11: {  	s12 =	sshra.s32 s11, $0x2  }
0x12: {  	s11 =	sadd.s32 $0x40, s11;
	[tilespmem:s12+$0x0] =	vst v0  }
0x13: {  	s11 =	simm.s32 $0x0  }
.LBB2_4:
0x14: {  	s12 =	sadd.s32 s11, s5  }
0x15: {  	[tilespmem:s6], [sflag:$0x1] =	stream.linear.gather [hbm4b:s12+s2], $0x400, $0x38;
	[tilespmem:$0x2C00] =	vst v63  }
0x16: {  	_ =	swait.ge [sflag:s7], $0x400  }
0x17: {  	[sflag:s7] =	ssyncset.done $0x0  }
0x18: {  	[sflag:s7] =	ssyncadd.s32 $0xFFFFFC00  }
0x19: {  	v2 =	vld [tilespmem:$0x2800];
	_ =	sdelay $0x7  }
0x1a: {  	[tilespmem:v2+s2+$0x0] =	vst.idx.add.f32.msk $0xffff, v1  }
0x1b: {  	v2 =	vld [tilespmem:$0x2810];
	_ =	sdelay $0x7  }
0x1c: {  	[tilespmem:v2+s2+$0x0] =	vst.idx.add.f32.msk $0xffff, v1  }
0x1d: {  	v2 =	vld [tilespmem:$0x2820];
	_ =	sdelay $0x7  }
0x1e: {  	[tilespmem:v2+s2+$0x0] =	vst.idx.add.f32.msk $0xffff, v1  }
0x1f: {  	v2 =	vld [tilespmem:$0x2830];
	_ =	sdelay $0x7  }
0x20: {  	[tilespmem:v2+s2+$0x0] =	vst.idx.add.f32.msk $0xffff, v1  }
0x21: {  	v2 =	vld [tilespmem:$0x2840];
	_ =	sdelay $0x7  }
0x22: {  	[tilespmem:v2+s2+$0x0] =	vst.idx.add.f32.msk $0xffff, v1  }
0x23: {  	v2 =	vld [tilespmem:$0x2850];
	_ =	sdelay $0x7  }
0x24: {  	[tilespmem:v2+s2+$0x0] =	vst.idx.add.f32.msk $0xffff, v1  }
0x25: {  	v2 =	vld [tilespmem:$0x2860];
	_ =	sdelay $0x7  }
0x26: {  	[tilespmem:v2+s2+$0x0] =	vst.idx.add.f32.msk $0xffff, v1  }
0x27: {  	v2 =	vld [tilespmem:$0x2870];
	_ =	sdelay $0x7  }
0x28: {  	[tilespmem:v2+s2+$0x0] =	vst.idx.add.f32.msk $0xffff, v1  }
0x29: {  	v2 =	vld [tilespmem:$0x2880];
	_ =	sdelay $0x7  }
0x2a: {  	[tilespmem:v2+s2+$0x0] =	vst.idx.add.f32.msk $0xffff, v1  }
0x2b: {  	v2 =	vld [tilespmem:$0x2890];
	_ =	sdelay $0x7  }
0x2c: {  	[tilespmem:v2+s2+$0x0] =	vst.idx.add.f32.msk $0xffff, v1  }
0x2d: {  	v2 =	vld [tilespmem:$0x28A0];
	_ =	sdelay $0x7  }
0x2e: {  	[tilespmem:v2+s2+$0x0] =	vst.idx.add.f32.msk $0xffff, v1  }
0x2f: {  	v2 =	vld [tilespmem:$0x28B0];
	_ =	sdelay $0x7  }
0x30: {  	[tilespmem:v2+s2+$0x0] =	vst.idx.add.f32.msk $0xffff, v1  }
0x31: {  	v2 =	vld [tilespmem:$0x28C0];
	_ =	sdelay $0x7  }
0x32: {  	[tilespmem:v2+s2+$0x0] =	vst.idx.add.f32.msk $0xffff, v1  }
0x33: {  	v2 =	vld [tilespmem:$0x28D0];
	_ =	sdelay $0x7  }
0x34: {  	[tilespmem:v2+s2+$0x0] =	vst.idx.add.f32.msk $0xffff, v1  }
0x35: {  	v2 =	vld [tilespmem:$0x28E0];
	_ =	sdelay $0x7  }
0x36: {  	[tilespmem:v2+s2+$0x0] =	vst.idx.add.f32.msk $0xffff, v1  }
0x37: {  	v2 =	vld [tilespmem:$0x28F0];
	_ =	sdelay $0x7  }
0x38: {  	[tilespmem:v2+s2+$0x0] =	vst.idx.add.f32.msk $0xffff, v1  }
0x39: {  	v2 =	vld [tilespmem:$0x2900];
	_ =	sdelay $0x7  }
0x3a: {  	[tilespmem:v2+s2+$0x0] =	vst.idx.add.f32.msk $0xffff, v1  }
0x3b: {  	v2 =	vld [tilespmem:$0x2910];
	_ =	sdelay $0x7  }
0x3c: {  	[tilespmem:v2+s2+$0x0] =	vst.idx.add.f32.msk $0xffff, v1  }
0x3d: {  	v2 =	vld [tilespmem:$0x2920];
	_ =	sdelay $0x7  }
0x3e: {  	[tilespmem:v2+s2+$0x0] =	vst.idx.add.f32.msk $0xffff, v1  }
0x3f: {  	v2 =	vld [tilespmem:$0x2930];
	_ =	sdelay $0x7  }
0x40: {  	[tilespmem:v2+s2+$0x0] =	vst.idx.add.f32.msk $0xffff, v1  }
0x41: {  	v2 =	vld [tilespmem:$0x2940];
	_ =	sdelay $0x7  }
0x42: {  	[tilespmem:v2+s2+$0x0] =	vst.idx.add.f32.msk $0xffff, v1  }
0x43: {  	v2 =	vld [tilespmem:$0x2950];
	_ =	sdelay $0x7  }
0x44: {  	[tilespmem:v2+s2+$0x0] =	vst.idx.add.f32.msk $0xffff, v1  }
0x45: {  	v2 =	vld [tilespmem:$0x2960];
	_ =	sdelay $0x7  }
0x46: {  	[tilespmem:v2+s2+$0x0] =	vst.idx.add.f32.msk $0xffff, v1  }
0x47: {  	v2 =	vld [tilespmem:$0x2970];
	_ =	sdelay $0x7  }
0x48: {  	[tilespmem:v2+s2+$0x0] =	vst.idx.add.f32.msk $0xffff, v1  }
0x49: {  	v2 =	vld [tilespmem:$0x2980];
	_ =	sdelay $0x7  }
0x4a: {  	[tilespmem:v2+s2+$0x0] =	vst.idx.add.f32.msk $0xffff, v1  }
0x4b: {  	v2 =	vld [tilespmem:$0x2990];
	_ =	sdelay $0x7  }
0x4c: {  	[tilespmem:v2+s2+$0x0] =	vst.idx.add.f32.msk $0xffff, v1  }
0x4d: {  	v2 =	vld [tilespmem:$0x29A0];
	_ =	sdelay $0x7  }
0x4e: {  	[tilespmem:v2+s2+$0x0] =	vst.idx.add.f32.msk $0xffff, v1  }
0x4f: {  	v2 =	vld [tilespmem:$0x29B0];
	_ =	sdelay $0x7  }
0x50: {  	[tilespmem:v2+s2+$0x0] =	vst.idx.add.f32.msk $0xffff, v1  }
0x51: {  	v2 =	vld [tilespmem:$0x29C0];
	_ =	sdelay $0x7  }
0x52: {  	[tilespmem:v2+s2+$0x0] =	vst.idx.add.f32.msk $0xffff, v1  }
0x53: {  	v2 =	vld [tilespmem:$0x29D0];
	_ =	sdelay $0x7  }
0x54: {  	[tilespmem:v2+s2+$0x0] =	vst.idx.add.f32.msk $0xffff, v1  }
0x55: {  	v2 =	vld [tilespmem:$0x29E0];
	_ =	sdelay $0x7  }
0x56: {  	[tilespmem:v2+s2+$0x0] =	vst.idx.add.f32.msk $0xffff, v1  }
0x57: {  	v2 =	vld [tilespmem:$0x29F0];
	_ =	sdelay $0x7  }
0x58: {  	[tilespmem:v2+s2+$0x0] =	vst.idx.add.f32.msk $0xffff, v1  }
0x59: {  	v2 =	vld [tilespmem:$0x2A00];
	_ =	sdelay $0x7  }
0x5a: {  	[tilespmem:v2+s2+$0x0] =	vst.idx.add.f32.msk $0xffff, v1  }
0x5b: {  	v2 =	vld [tilespmem:$0x2A10];
	_ =	sdelay $0x7  }
0x5c: {  	[tilespmem:v2+s2+$0x0] =	vst.idx.add.f32.msk $0xffff, v1  }
0x5d: {  	v2 =	vld [tilespmem:$0x2A20];
	_ =	sdelay $0x7  }
0x5e: {  	[tilespmem:v2+s2+$0x0] =	vst.idx.add.f32.msk $0xffff, v1  }
0x5f: {  	v2 =	vld [tilespmem:$0x2A30];
	_ =	sdelay $0x7  }
0x60: {  	[tilespmem:v2+s2+$0x0] =	vst.idx.add.f32.msk $0xffff, v1  }
0x61: {  	v2 =	vld [tilespmem:$0x2A40];
	_ =	sdelay $0x7  }
0x62: {  	[tilespmem:v2+s2+$0x0] =	vst.idx.add.f32.msk $0xffff, v1  }
0x63: {  	v2 =	vld [tilespmem:$0x2A50];
	_ =	sdelay $0x7  }
0x64: {  	[tilespmem:v2+s2+$0x0] =	vst.idx.add.f32.msk $0xffff, v1  }
0x65: {  	v2 =	vld [tilespmem:$0x2A60];
	_ =	sdelay $0x7  }
0x66: {  	[tilespmem:v2+s2+$0x0] =	vst.idx.add.f32.msk $0xffff, v1  }
0x67: {  	v2 =	vld [tilespmem:$0x2A70];
	_ =	sdelay $0x7  }
0x68: {  	[tilespmem:v2+s2+$0x0] =	vst.idx.add.f32.msk $0xffff, v1  }
0x69: {  	v2 =	vld [tilespmem:$0x2A80];
	_ =	sdelay $0x7  }
0x6a: {  	[tilespmem:v2+s2+$0x0] =	vst.idx.add.f32.msk $0xffff, v1  }
0x6b: {  	v2 =	vld [tilespmem:$0x2A90];
	_ =	sdelay $0x7  }
0x6c: {  	[tilespmem:v2+s2+$0x0] =	vst.idx.add.f32.msk $0xffff, v1  }
0x6d: {  	v2 =	vld [tilespmem:$0x2AA0];
	_ =	sdelay $0x7  }
0x6e: {  	[tilespmem:v2+s2+$0x0] =	vst.idx.add.f32.msk $0xffff, v1  }
0x6f: {  	v2 =	vld [tilespmem:$0x2AB0];
	_ =	sdelay $0x7  }
0x70: {  	[tilespmem:v2+s2+$0x0] =	vst.idx.add.f32.msk $0xffff, v1  }
0x71: {  	v2 =	vld [tilespmem:$0x2AC0];
	_ =	sdelay $0x7  }
0x72: {  	[tilespmem:v2+s2+$0x0] =	vst.idx.add.f32.msk $0xffff, v1  }
0x73: {  	v2 =	vld [tilespmem:$0x2AD0];
	_ =	sdelay $0x7  }
0x74: {  	[tilespmem:v2+s2+$0x0] =	vst.idx.add.f32.msk $0xffff, v1  }
0x75: {  	v2 =	vld [tilespmem:$0x2AE0];
	_ =	sdelay $0x7  }
0x76: {  	[tilespmem:v2+s2+$0x0] =	vst.idx.add.f32.msk $0xffff, v1  }
0x77: {  	v2 =	vld [tilespmem:$0x2AF0];
	_ =	sdelay $0x7  }
0x78: {  	[tilespmem:v2+s2+$0x0] =	vst.idx.add.f32.msk $0xffff, v1  }
0x79: {  	v2 =	vld [tilespmem:$0x2B00];
	_ =	sdelay $0x7  }
0x7a: {  	[tilespmem:v2+s2+$0x0] =	vst.idx.add.f32.msk $0xffff, v1  }
0x7b: {  	v2 =	vld [tilespmem:$0x2B10];
	_ =	sdelay $0x7  }
0x7c: {  	[tilespmem:v2+s2+$0x0] =	vst.idx.add.f32.msk $0xffff, v1  }
0x7d: {  	v2 =	vld [tilespmem:$0x2B20];
	_ =	sdelay $0x7  }
0x7e: {  	[tilespmem:v2+s2+$0x0] =	vst.idx.add.f32.msk $0xffff, v1  }
0x7f: {  	v2 =	vld [tilespmem:$0x2B30];
	_ =	sdelay $0x7  }
0x80: {  	[tilespmem:v2+s2+$0x0] =	vst.idx.add.f32.msk $0xffff, v1  }
0x81: {  	v2 =	vld [tilespmem:$0x2B40];
	_ =	sdelay $0x7  }
0x82: {  	[tilespmem:v2+s2+$0x0] =	vst.idx.add.f32.msk $0xffff, v1  }
0x83: {  	v2 =	vld [tilespmem:$0x2B50];
	_ =	sdelay $0x7  }
0x84: {  	[tilespmem:v2+s2+$0x0] =	vst.idx.add.f32.msk $0xffff, v1  }
0x85: {  	v2 =	vld [tilespmem:$0x2B60];
	_ =	sdelay $0x7  }
0x86: {  	[tilespmem:v2+s2+$0x0] =	vst.idx.add.f32.msk $0xffff, v1  }
0x87: {  	v2 =	vld [tilespmem:$0x2B70];
	_ =	sdelay $0x7  }
0x88: {  	[tilespmem:v2+s2+$0x0] =	vst.idx.add.f32.msk $0xffff, v1  }
0x89: {  	v2 =	vld [tilespmem:$0x2B80];
	_ =	sdelay $0x7  }
0x8a: {  	[tilespmem:v2+s2+$0x0] =	vst.idx.add.f32.msk $0xffff, v1  }
0x8b: {  	v2 =	vld [tilespmem:$0x2B90];
	_ =	sdelay $0x7  }
0x8c: {  	[tilespmem:v2+s2+$0x0] =	vst.idx.add.f32.msk $0xffff, v1  }
0x8d: {  	v2 =	vld [tilespmem:$0x2BA0];
	_ =	sdelay $0x7  }
0x8e: {  	[tilespmem:v2+s2+$0x0] =	vst.idx.add.f32.msk $0xffff, v1  }
0x8f: {  	v2 =	vld [tilespmem:$0x2BB0];
	_ =	sdelay $0x7  }
0x90: {  	[tilespmem:v2+s2+$0x0] =	vst.idx.add.f32.msk $0xffff, v1  }
0x91: {  	v2 =	vld [tilespmem:$0x2BC0];
	_ =	sdelay $0x7  }
0x92: {  	[tilespmem:v2+s2+$0x0] =	vst.idx.add.f32.msk $0xffff, v1  }
0x93: {  	v2 =	vld [tilespmem:$0x2BD0];
	_ =	sdelay $0x7  }
0x94: {  	[tilespmem:v2+s2+$0x0] =	vst.idx.add.f32.msk $0xffff, v1  }
0x95: {  	v2 =	vld [tilespmem:$0x2BE0];
	_ =	sdelay $0x7  }
0x96: {  	[tilespmem:v2+s2+$0x0] =	vst.idx.add.f32.msk $0xffff, v1  }
0x97: {  	v2 =	vld [tilespmem:$0x2BF0];
	_ =	sdelay $0x2  }
0x98: {  	p0 =	sne.s32 s11, $0x480  }
.Ltmp1:
0x99: {  	_ = 	snop;
	(pc) =	sbr.rel @p0 .LBB2_4-.Ltmp1, $2  }
0x9a: {  	_ =	sdelay $0x2  }
0x9b: {  	s11 =	sadd.s32 $0x80, s11;
	[tilespmem:v2+s2+$0x0] =	vst.idx.add.f32.msk $0xffff, v1  }
0x9c: {  	s10 =	sadd.s32 $0x1, s10  }
0x9d: {  	p0 =	sne.s32 s10, s4  }
.Ltmp2:
0x9e: {  	_ = 	snop;
	(pc) =	sbr.rel @p0 .LBB2_1-.Ltmp2, $4  }
0x9f: {  	[hbm4b:s3+s8] =	stream.strided.scatter [tilespmem:s2], [sflag:$0x1], $0x2800, s9, s8, $0x38;
	[tilespmem:$0x2C00] =	vst v63  }
0xa0: {  	_ =	swait.ge [sflag:s7], $0x2800  }
0xa1: {  	[sflag:s7] =	ssyncset.done $0x0  }
0xa2: {  	[sflag:s7] =	ssyncadd.s32 $0xFFFFD800  }
0xa3: {  	_ =	sfence.sel $0x180000  }
0xa4: {  	[bflag:$0x0] =	sbarrier.arrive $0xFFFF  }
0xa5: {  	p0 =	sne.s32 s1, $0x0;
	_ =	strace $0x90000047  }
0xa6: {  	s0 =	sadd.s32 @!p0 $0x100000, s0;
	[bflag:$0x2] =	sbarrier.arrive $0xFFFF  }
0xa7: {  	[sflag:s0] =	ssyncadd.tile.s32 @!p0 $0x1;
	_ =	shalt  }
.Lfunc_end2:
_tile_overlayer_lowered:
.L_overlay_start_2:
0xa8: {  	(tag) =	ssettag $0x2  }
0xa9: {  	s0 =	rddreg [dreg:$0x0];
	s2 =	stileid.u32  }
0xaa: {  	s1 =	rddreg [dreg:$0x1];
	p0 =	sne.s32 s2, $0x0  }
0xab: {  	s3 =	rddreg [dreg:$0x2];
	[bflag:$0x3] =	sbarrier.arrive $0xFFFF;
	s2 =	simm.s32 @!p0 $0x1C01  }
0xac: {  	[timem:s3], [sflag:s2] =	dma.local @!p0 [hbm:s0], s1  }
0xad: {  	s0 =	simm.s32 @!p0 $0x1  }
0xae: {  	_ =	swait.ge @!p0 [sflag:s0], s1  }
0xaf: {  	s1 =	ssub.s32 @!p0 $0x0, s1;
	[sflag:s0] =	ssyncset.done @!p0 $0x0  }
0xb0: {  	[sflag:s0] =	ssyncadd.s32 @!p0 s1  }
0xb1: {  	[bflag:$0x3] =	sbarrier.arrive $0xFFFF  }
0xb2: {  	_ =	shalt  }

// kernel: kernel.9.cloned.1.call-start
scs
__scs_entry_jumppad:
0x0: {  	(pc) =	sbr.rel $0x88, $3  }
0x1: {  	(tag) =	ssettag $0x0;
	lr =	simm.s32 $0x1  }
0x2: {  	[smem:$0x3F9D] =	sst lr;
	_ =	strace $0xD0000000  }
0x3: {  	_ = 	snop  }
0x4: {  	_ = 	snop  }
0x5: {  	_ = 	snop  }
0x6: {  	_ = 	snop  }
0x7: {  	_ = 	snop  }
__scs_overlays_trampoline_lowered:
0x8: {  	[smem:$0x3FAC] =	sst s0  }
0x9: {  	[smem:$0x3FAD] =	sst s1  }
0xa: {  	[smem:$0x3FAE] =	sst s2  }
0xb: {  	[smem:$0x3FAF] =	sst s3  }
0xc: {  	[smem:$0x3FB0] =	sst s4  }
0xd: {  	[smem:$0x3FB1] =	sst s5  }
0xe: {  	[smem:$0x3FB2] =	sst s6  }
0xf: {  	[smem:$0x3FB3] =	sst s7  }
0x10: {  	[smem:$0x3FB4] =	sst s8  }
0x11: {  	[smem:$0x3FB5] =	sst s9;
	s0 =	simm.s32 @!p0 $0x0  }
0x12: {  	s1 =	sld [smem:$0x3F9B];
	s0 =	simm.s32 @p0 $0x1  }
0x13: {  	[smem:$0x3FB6] =	sst s0;
	s0 =	simm.s32 @!p1 $0x0  }
0x14: {  	s2 =	sld [smem:$0x3F9A];
	s0 =	simm.s32 @p1 $0x1  }
0x15: {  	[smem:$0x3FB7] =	sst s0;
	s0 =	simm.s32 @!p2 $0x0  }
0x16: {  	s3 =	sld [smem:$0x3FDB];
	s0 =	simm.s32 @p2 $0x1  }
0x17: {  	s4 =	simm.s32 $0x1BF5;
	[smem:$0x3FB9] =	sst s0  }
0x18: {  	s0 =	sld [smem:$0x3F9C];
	_ =	swait.ge [sflag:s4], $0x0  }
0x19: {  	s7 =	sld [smem:$0x3F9D]  }
0x1a: {  	s8 =	sadd.s32 $0xFFFFE003, lr  }
0x1b: {  	s9 =	sadd.s32 $0xFFFFFEF7, lr;
	s5 =	simm.s32 $0xFFFFFFFF;
	p2 =	slt.u32 s8, $0xFFFFF086  }
0x1c: {  	p1 =	slt.u32 s9, $0xF7A;
	s5 =	simm.s32 @!p2 $0x0  }
0x1d: {  	s5 =	simm.s32 @p1 $0x1;
	p0 =	seq.s32 s7, s2  }
0x1e: {  	s7 =	smul.u32 @!p0 $0xF7A, s2;
	p2 =	seq.s32 @!p0 s5, $0x0  }
0x1f: {  	s9 =	smul.u32 $0xF7A, s1;
	s8 =	simm.s32 @!p0 $0x1BF5;
	p2 =	por !p2, p0  }
0x20: {  	[sflag:s8] =	ssyncset.s32 @!p0 $0xFFFFF086;
	s6 =	sadd.s32 @!p0 s3, s7;
	s7 =	simm.s32 @!p0 $0x108  }
0x21: {  	s3 =	sadd.s32 s3, s9;
	s6 =	sadd.s32 @!p0 $0x88, s6;
	s7 =	simm.s32 @p2 $0x1082  }
0x22: {  	[simem:s7], [sflag:s8] =	dma.local @!p0 [hbm:s6], $0xF7A  }
0x23: {  	s9 =	sor.u32 $0xD0000000, s2;
	s6 =	simm.s32 $0x108;
	_ =	swait.ge @!p0 [sflag:s8], $0x0  }
0x24: {  	s3 =	sadd.s32 $0x88, s3;
	s6 =	simm.s32 @!p1 $0x1082;
	[sflag:s4] =	ssyncset.s32 $0xFFFFF086  }
0x25: {  	[simem:s6], [sflag:s4] =	dma.local [hbm:s3], $0xF7A  }
0x26: {  	[smem:$0x3F9D] =	sst s1;
	(tag) =	ssettag s2;
	_ =	strace s9  }
0x27: {  	s1 =	sld [smem:$0x3FAD]  }
0x28: {  	s2 =	sld [smem:$0x3FAE]  }
0x29: {  	s4 =	sld [smem:$0x3FB0]  }
0x2a: {  	p0 =	seq.s32 s5, $0x0;
	s5 =	sld [smem:$0x3FB1]  }
0x2b: {  	s6 =	sld [smem:$0x3FB2]  }
0x2c: {  	s7 =	sld [smem:$0x3FB3]  }
0x2d: {  	s3 =	simm.s32 $0x108;
	s8 =	sld [smem:$0x3FB4]  }
0x2e: {  	s3 =	simm.s32 @!p0 $0x1082;
	s9 =	sld [smem:$0x3FB5]  }
0x2f: {  	lr =	sadd.s32 s0, s3;
	s0 =	sld [smem:$0x3FAC]  }
0x30: {  	s3 =	sld [smem:$0x3FAF]  }
0x31: {  	[smem:$0x3FB8] =	sst s10  }
0x32: {  	s10 =	sld [smem:$0x3FB6];
	_ =	sdelay $0x3  }
0x33: {  	p0 =	seq.s32 s10, $0x1;
	s10 =	sld [smem:$0x3FB8];
	_ =	sdelay $0x3  }
0x34: {  	[smem:$0x3FB8] =	sst s10  }
0x35: {  	s10 =	sld [smem:$0x3FB7];
	_ =	sdelay $0x3  }
0x36: {  	p1 =	seq.s32 s10, $0x1;
	s10 =	sld [smem:$0x3FB8];
	_ =	sdelay $0x3  }
0x37: {  	[smem:$0x3FB8] =	sst s10  }
0x38: {  	s10 =	sld [smem:$0x3FB9]  }
0x39: {  	_ = 	snop;
	(pc) =	sbr.ind lr, $3  }
0x3a: {  	_ = 	snop  }
0x3b: {  	_ = 	snop  }
0x3c: {  	p2 =	seq.s32 s10, $0x1;
	s10 =	sld [smem:$0x3FB8]  }
0x3d: {  	_ =	shalt  }
0x3e: {  	_ =	shalt  }
0x3f: {  	_ =	shalt  }
0x40: {  	_ =	shalt  }
0x41: {  	_ =	shalt  }
0x42: {  	_ =	shalt  }
0x43: {  	_ =	shalt  }
0x44: {  	_ =	shalt  }
0x45: {  	_ =	shalt  }
0x46: {  	_ =	shalt  }
0x47: {  	_ =	shalt  }
0x48: {  	_ =	shalt  }
0x49: {  	_ =	shalt  }
0x4a: {  	_ =	shalt  }
0x4b: {  	_ =	shalt  }
0x4c: {  	_ =	shalt  }
0x4d: {  	_ =	shalt  }
0x4e: {  	_ =	shalt  }
0x4f: {  	_ =	shalt  }
0x50: {  	_ =	shalt  }
0x51: {  	_ =	shalt  }
0x52: {  	_ =	shalt  }
0x53: {  	_ =	shalt  }
0x54: {  	_ =	shalt  }
0x55: {  	_ =	shalt  }
0x56: {  	_ =	shalt  }
0x57: {  	_ =	shalt  }
0x58: {  	_ =	shalt  }
0x59: {  	_ =	shalt  }
0x5a: {  	_ =	shalt  }
0x5b: {  	_ =	shalt  }
0x5c: {  	_ =	shalt  }
0x5d: {  	_ =	shalt  }
0x5e: {  	_ =	shalt  }
0x5f: {  	_ =	shalt  }
0x60: {  	_ =	shalt  }
0x61: {  	_ =	shalt  }
0x62: {  	_ =	shalt  }
0x63: {  	_ =	shalt  }
0x64: {  	_ =	shalt  }
0x65: {  	_ =	shalt  }
0x66: {  	_ =	shalt  }
0x67: {  	_ =	shalt  }
0x68: {  	_ =	shalt  }
0x69: {  	_ =	shalt  }
0x6a: {  	_ =	shalt  }
0x6b: {  	_ =	shalt  }
0x6c: {  	_ =	shalt  }
0x6d: {  	_ =	shalt  }
0x6e: {  	_ =	shalt  }
0x6f: {  	_ =	shalt  }
0x70: {  	_ =	shalt  }
0x71: {  	_ =	shalt  }
0x72: {  	_ =	shalt  }
0x73: {  	_ =	shalt  }
0x74: {  	_ =	shalt  }
0x75: {  	_ =	shalt  }
0x76: {  	_ =	shalt  }
0x77: {  	_ =	shalt  }
0x78: {  	_ =	shalt  }
0x79: {  	_ =	shalt  }
0x7a: {  	_ =	shalt  }
0x7b: {  	_ =	shalt  }
0x7c: {  	_ =	shalt  }
0x7d: {  	_ =	shalt  }
0x7e: {  	_ =	shalt  }
0x7f: {  	_ =	shalt  }
0x80: {  	_ =	shalt  }
0x81: {  	_ =	shalt  }
0x82: {  	_ =	shalt  }
0x83: {  	_ =	shalt  }
0x84: {  	_ =	shalt  }
0x85: {  	_ =	shalt  }
0x86: {  	_ =	shalt  }
0x87: {  	_ =	shalt  }
.Lfunc_end0:
.L_simem_size_0:
called_computation.1_lowered:
.L_overlay_start_0:
0x88: {  	s2 =	sld [smem:$0x3FD9]  }
0x89: {  	s3 =	sld [smem:$0x3FFE];
	_ =	sdelay $0x1  }
0x8a: {  	s1 =	srdreg.scid  }
0x8b: {  	s0 =	sand.u32 $0x1, s1  }
0x8c: {  	s17 =	sshll.u32 s0, $0xA;
	s2 =	sadd.s32 s3, s2  }
0x8d: {  	s2 =	sadd.s32 s2, s17  }
0x8e: {  	[smem:$0x3FC4] =	sst s2  }
0x8f: {  	_ = 	snop  }
0x90: {  	s2 =	sld [smem:$0x3FD0];
	(tm) =	ssettm $0x1  }
0x91: {  	s18 =	sld [smem:$0x3FFB];
	_ =	sdelay $0x3  }
0x92: {  	_ =	strace s18  }
0x93: {  	s3 =	sld [smem:$0x3FFC];
	_ =	sdelay $0x3  }
0x94: {  	_ =	strace s3  }
0x95: {  	s3 =	sld [smem:$0x3FFD];
	_ =	sdelay $0x3  }
0x96: {  	_ =	strace s3  }
0x97: {  	_ =	strace $0x8FFFFFFF  }
0x98: {  	s19 =	sld [smem:$0x3FDB];
	_ =	sdelay $0x1  }
0x99: {  	s4 =	simm.s32 $_scs_section_size  }
0x9a: {  	s5 =	simm.s32 $_size__tile_overlayer_lowered;
	s6 =	simm.s32 $_tile_overlayer_lowered  }
0x9b: {  	s22 =	simm.s32 $0x1BFF;
	s21 =	sshll.u32 s6, $0x1;
	s3 =	sadd.s32 s4, s19  }
0x9c: {  	s7 =	simm.s32 $0x0;
	s20 =	sshll.u32 s5, $0x1;
	s5 =	sadd.s32 s21, s3  }
0x9d: {  	[timem:s7], [sflag:s22] =	dma.local [hbm:s5], s20  }
0x9e: {  	_ =	swait.ge [sflag:s22], s20  }
0x9f: {  	s4 =	ssub.s32 $0x0, s20;
	[sflag:s22] =	ssyncset.done $0x0  }
0xa0: {  	[sflag:s22] =	ssyncadd.s32 s4;
	_ =	sdelay $0x1  }
0xa1: {  	s23 =	simm.s32 $0x1B8B  }
0xa2: {  	_ =	swait.ge [sflag:s23], $0x1  }
0xa3: {  	[sflag:s23] =	ssyncset.done $0x0  }
0xa4: {  	s25 =	simm.s32 $0x1B8E;
	s24 =	sld [smem:$0x3FFE];
	[sflag:s23] =	ssyncadd.s32 $0xFFFFFFFF  }
0xa5: {  	s26 =	simm.s32 $execute0_lowered;
	[smem:$0x3FD2] =	sst s25  }
0xa6: {  	s5 =	sshll.u32 s26, $0x1;
	_ =	strace $0x80000049;
	[dreg:$0x1] =	wrdreg $0xFFFFFFFF  }
0xa7: {  	s28 =	simm.s32 $_size_execute0_lowered;
	s3 =	sadd.s32 s3, s5;
	[dreg:$0x0] =	wrdreg $0x0  }
0xa8: {  	s5 =	sshll.u32 s28, $0x1;
	[dreg:$0x2] =	wrdreg s3  }
0xa9: {  	[dreg:$0x3] =	wrdreg s5  }
0xaa: {  	[dreg:$0x4] =	wrdreg $0xC0  }
0xab: {  	_ =	task [dreg:s7], $0x5FFFF  }
0xac: {  	[dreg:$0x1] =	wrdreg $0xFFFFFFFF  }
0xad: {  	[dreg:$0x0] =	wrdreg $0x60  }
0xae: {  	[dreg:$0x2] =	wrdreg s24  }
0xaf: {  	[dreg:$0x3] =	wrdreg s2  }
0xb0: {  	[dreg:$0x4] =	wrdreg $0x0  }
0xb1: {  	[dreg:$0x5] =	wrdreg $0x9  }
0xb2: {  	_ =	task.clear_ibuf [dreg:s7], $0x6FFFF;
	_ =	strace $0x90000049  }
0xb3: {  	s29 =	simm.s32 $0x9;
	_ =	strace $0x8000004B  }
0xb4: {  	_ =	swait.ge [sflag:s29], $0x1  }
0xb5: {  	[sflag:s29] =	ssyncadd.s32 $0xFFFFFFFF  }
0xb6: {  	_ =	strace $0x9000004B  }
0xb7: {  	_ =	sfence  }
0xb8: {  	s30 =	sld [smem:$0x0];
	_ =	sdelay $0x2  }
0xb9: {  	s31 =	sshll.u32 s1, $0xD;
	s1 =	sshrl.u32 s1, $0x2  }
0xba: {  	s3 =	sand.u32 $0x4000, s31;
	s1 =	sadd.s32 s1, s30  }
0xbb: {  	s0 =	sor.u32 s3, s0;
	s1 =	sshll.u32 s1, $0x11  }
0xbc: {  	s0 =	sor.u32 s1, s0  }
0xbd: {  	s0 =	sadd.s32 $0x8F2B, s0  }
0xbe: {  	[sflag:s0] =	ssyncadd.remote.s32 $0x1  }
0xbf: {  	_ =	sfence.sel $0xFFFF  }
0xc0: {  	[dreg:$0x0] =	wrdreg $0xFFFFFFFF;
	(pc) =	sbr.abs _section_cstart, $3  }
0xc1: {  	[dreg:$0x1] =	wrdreg $0xFFFFFFFF  }
0xc2: {  	_ =	task.clear_ibuf [dreg:s7], $0x2FFFF;
	_ =	strace $0x9FFFFFFF  }
0xc3: {  	(tm) =	ssettm $0x7FFFFFFF  }
tec
execute0_lowered:
.L_overlay_start_1:
0x0: {  	(tag) =	ssettag $0x1  }
0x1: {  	s0 =	rddreg [dreg:$0x0]  }
0x2: {  	s1 =	rddreg [dreg:$0x1]  }
0x3: {  	s2 =	rddreg [dreg:$0x2]  }
0x4: {  	s4 =	srdreg.scid;
	s3 =	simm.s32 $0x0;
	s10 =	stileid.u32  }
0x5: {  	s13 =	simm.s32 $0x5;
	s14 =	simm.s32 $0x14000;
	s15 =	simm.s32 $0x14400  }
0x6: {  	s25 =	simm.s32 $0x14080;
	s26 =	simm.s32 $0x14100;
	s28 =	simm.s32 $0x14580  }
0x7: {  	s29 =	simm.s32 $0x14280;
	s30 =	simm.s32 $0x14600;
	s31 =	simm.s32 $0x14300  }
0x8: {  	s5 =	sand.u32 $0x1, s4;
	[smem:$0x7FF] =	sst s3;
	s17 =	smul.u32 $0x14000, s10  }
0x9: {  	s16 =	sshll.u32 s10, $0x2;
	s6 =	sshll.u32 s10, $0x4;
	s18 =	smul.u32 $0x50000, s10  }
0xa: {  	s11 =	sadd.s32 $0x33600, s0;
	s21 =	sshll.u32 s10, $0x6;
	p0 =	seq.s32 s5, $0x0  }
0xb: {  	s4 =	sor.u32 $0x100, s16;
	_ =	strace $0x8000004A;
	[dreg:$0x6] =	wrdreg s11  }
0xc: {  	s7 =	smul.u32 $0x140000, s5;
	s5 =	ssub.s32 $0x2, s5;
	[dreg:$0x4] =	wrdreg s25  }
0xd: {  	s10 =	sor.u32 $0x1C05, s21;
	s16 =	simm.s32 $0x80;
	[dreg:$0x5] =	wrdreg s26  }
0xe: {  	s21 =	simm.s32 $0x2;
	s25 =	simm.s32 $0x14500;
	s26 =	simm.s32 $0x14200  }
0xf: {  	s4 =	smov.u32 @p0 s6;
	s19 =	sshrl.u32 s5, $0x1;
	s20 =	sshrl.u32 s18, $0x2  }
0x10: {  	s18 =	simm.s32 $0x18800;
	s8 =	sshll.u32 s4, $0x7;
	s4 =	sadd.s32 $0xB600, s0  }
0x11: {  	s6 =	sadd.s32 s17, s7;
	s5 =	ssub.s32 s5, s19;
	s7 =	simm.s32 $0x10  }
0x12: {  	s17 =	simm.s32 $0x14800;
	s19 =	simm.s32 $0x1;
	s9 =	sadd.s32 s8, s0  }
0x13: {  	s6 =	sshrl.u32 s6, $0x3;
	s7 =	simm.s32 @!p0 $0x4;
	s22 =	smax.u32 s5, $0x1  }
0x14: {  	s23 =	sadd.s32 s8, s1;
	s1 =	simm.s32 $0x14380;
	[dreg:$0x7] =	wrdreg s7  }
0x15: {  	s5 =	simm.s32 $0x14700;
	s8 =	simm.s32 $0x14780;
	[dreg:$0x9] =	wrdreg s22  }
0x16: {  	s0 =	sadd.s32 s6, s0;
	s6 =	sadd.s32 s20, s2;
	[dreg:$0xa] =	wrdreg s23  }
0x17: {  	s24 =	sadd.s32 $0x1600, s9;
	s20 =	simm.s32 $0x3;
	s22 =	simm.s32 $0x14480  }
0x18: {  	s23 =	simm.s32 $0x4;
	s0 =	sadd.s32 $0x35E00, s0;
	[dreg:$0xb] =	wrdreg s24  }
0x19: {  	s9 =	simm.s32 $0x0;
	s11 =	sshrl.u32 s6, $0x3;
	[dreg:$0x8] =	wrdreg s0  }
0x1a: {  	s24 =	simm.s32 $0x14180;
	s0 =	simm.s32 $0x14680;
	[dreg:$0xc] =	wrdreg s11  }
.LBB2_1:
0x1b: {  	s6 =	rddreg [dreg:$0x6]  }
0x1c: {  	[spmem:s11], [sflag:s10] =	dma.local [hbm:s6], $0x2800  }
0x1d: {  	_ =	swait.ge [sflag:s13], $0x2800  }
0x1e: {  	[sflag:s13] =	ssyncset.done $0x0  }
0x1f: {  	[sflag:s13] =	ssyncadd.s32 $0xFFFFD800  }
0x20: {  	[bflag:$0x0] =	sbarrier.arrive $0xFFFF  }
0x21: {  	s11 =	rddreg [dreg:$0xb]  }
0x22: {  	[tilespmem:s14], [sflag:$0x5] =	stream.linear.gather [hbm4b:s11+s3], $0x400, $0x38;
	[tilespmem:$0x1C800] =	vst v63  }
0x23: {  	_ =	swait.ge [sflag:s13], $0x400  }
0x24: {  	[sflag:s13] =	ssyncset.done $0x0  }
0x25: {  	s7 =	smov.u32 s10;
	s10 =	rddreg [dreg:$0xa];
	[sflag:s13] =	ssyncadd.s32 $0xFFFFFC00  }
0x26: {  	[tilespmem:s15], [sflag:$0x5] =	stream.linear.gather [hbm4b:s10+s3], $0x400, $0x38;
	[tilespmem:$0x1C800] =	vst v63  }
0x27: {  	_ =	swait.ge [sflag:s13], $0x400  }
0x28: {  	[sflag:s13] =	ssyncset.done $0x0  }
0x29: {  	[sflag:s13] =	ssyncadd.s32 $0xFFFFFC00  }
0x2a: {  	[tilespmem:s17], [sflag:$0x1] =	stream.indirect.gather [hbm4b:s4+s16], $0x80, s14, s16, $0xb8;
	[tilespmem:$0x1C800] =	vst v63  }
0x2b: {  	s12 =	rddreg [dreg:$0x4]  }
0x2c: {  	[tilespmem:s18], [sflag:$0x2] =	stream.indirect.gather [hbm4b:s4+s16], $0x80, s12, s16, $0xb8;
	[tilespmem:$0x1C800] =	vst v63  }
0x2d: {  	_ =	swait.ge [sflag:s19], $0x4000  }
0x2e: {  	[sflag:s19] =	ssyncset.done $0x0  }
0x2f: {  	[sflag:s19] =	ssyncadd.s32 $0xFFFFC000  }
0x30: {  	[spmem:s2] =	stream.indirect.scatter.add.f32 [tilespmem:s17], [sflag:$0x3], $0x80, s15, s16, $0xb8;
	[tilespmem:$0x1C800] =	vst v63  }
0x31: {  	_ =	swait.ge [sflag:s20], $0x4000  }
0x32: {  	[sflag:s20] =	ssyncset.done $0x0  }
0x33: {  	s12 =	rddreg [dreg:$0x5];
	[sflag:s20] =	ssyncadd.s32 $0xFFFFC000  }
0x34: {  	[tilespmem:s17], [sflag:$0x1] =	stream.indirect.gather [hbm4b:s4+s16], $0x80, s12, s16, $0xb8;
	[tilespmem:$0x1C800] =	vst v63  }
0x35: {  	_ =	swait.ge [sflag:s21], $0x4000  }
0x36: {  	[sflag:s21] =	ssyncset.done $0x0  }
0x37: {  	[sflag:s21] =	ssyncadd.s32 $0xFFFFC000  }
0x38: {  	[spmem:s2] =	stream.indirect.scatter.add.f32 [tilespmem:s18], [sflag:$0x4], $0x80, s22, s16, $0xb8;
	[tilespmem:$0x1C800] =	vst v63  }
0x39: {  	_ =	swait.ge [sflag:s23], $0x4000  }
0x3a: {  	[sflag:s23] =	ssyncset.done $0x0  }
0x3b: {  	[sflag:s23] =	ssyncadd.s32 $0xFFFFC000  }
0x3c: {  	[tilespmem:s18], [sflag:$0x2] =	stream.indirect.gather [hbm4b:s4+s16], $0x80, s24, s16, $0xb8;
	[tilespmem:$0x1C800] =	vst v63  }
0x3d: {  	_ =	swait.ge [sflag:s19], $0x4000  }
0x3e: {  	[sflag:s19] =	ssyncset.done $0x0  }
0x3f: {  	[sflag:s19] =	ssyncadd.s32 $0xFFFFC000  }
0x40: {  	[spmem:s2] =	stream.indirect.scatter.add.f32 [tilespmem:s17], [sflag:$0x3], $0x80, s25, s16, $0xb8;
	[tilespmem:$0x1C800] =	vst v63  }
0x41: {  	_ =	swait.ge [sflag:s20], $0x4000  }
0x42: {  	[sflag:s20] =	ssyncset.done $0x0  }
0x43: {  	[sflag:s20] =	ssyncadd.s32 $0xFFFFC000  }
0x44: {  	[tilespmem:s17], [sflag:$0x1] =	stream.indirect.gather [hbm4b:s4+s16], $0x80, s26, s16, $0xb8;
	[tilespmem:$0x1C800] =	vst v63  }
0x45: {  	_ =	swait.ge [sflag:s21], $0x4000  }
0x46: {  	[sflag:s21] =	ssyncset.done $0x0  }
0x47: {  	[sflag:s21] =	ssyncadd.s32 $0xFFFFC000  }
0x48: {  	[spmem:s2] =	stream.indirect.scatter.add.f32 [tilespmem:s18], [sflag:$0x4], $0x80, s28, s16, $0xb8;
	[tilespmem:$0x1C800] =	vst v63  }
0x49: {  	_ =	swait.ge [sflag:s23], $0x4000  }
0x4a: {  	[sflag:s23] =	ssyncset.done $0x0  }
0x4b: {  	[sflag:s23] =	ssyncadd.s32 $0xFFFFC000  }
0x4c: {  	[tilespmem:s18], [sflag:$0x2] =	stream.indirect.gather [hbm4b:s4+s16], $0x80, s29, s16, $0xb8;
	[tilespmem:$0x1C800] =	vst v63  }
0x4d: {  	_ =	swait.ge [sflag:s19], $0x4000  }
0x4e: {  	[sflag:s19] =	ssyncset.done $0x0  }
0x4f: {  	[sflag:s19] =	ssyncadd.s32 $0xFFFFC000  }
0x50: {  	[spmem:s2] =	stream.indirect.scatter.add.f32 [tilespmem:s17], [sflag:$0x3], $0x80, s30, s16, $0xb8;
	[tilespmem:$0x1C800] =	vst v63  }
0x51: {  	_ =	swait.ge [sflag:s20], $0x4000  }
0x52: {  	[sflag:s20] =	ssyncset.done $0x0  }
0x53: {  	[sflag:s20] =	ssyncadd.s32 $0xFFFFC000  }
0x54: {  	[tilespmem:s17], [sflag:$0x1] =	stream.indirect.gather [hbm4b:s4+s16], $0x80, s31, s16, $0xb8;
	[tilespmem:$0x1C800] =	vst v63  }
0x55: {  	_ =	swait.ge [sflag:s21], $0x4000  }
0x56: {  	[sflag:s21] =	ssyncset.done $0x0  }
0x57: {  	[sflag:s21] =	ssyncadd.s32 $0xFFFFC000  }
0x58: {  	[spmem:s2] =	stream.indirect.scatter.add.f32 [tilespmem:s18], [sflag:$0x4], $0x80, s0, s16, $0xb8;
	[tilespmem:$0x1C800] =	vst v63  }
0x59: {  	_ =	swait.ge [sflag:s23], $0x4000  }
0x5a: {  	[sflag:s23] =	ssyncset.done $0x0  }
0x5b: {  	[sflag:s23] =	ssyncadd.s32 $0xFFFFC000  }
0x5c: {  	[tilespmem:s18], [sflag:$0x2] =	stream.indirect.gather [hbm4b:s4+s16], $0x80, s1, s16, $0xb8;
	[tilespmem:$0x1C800] =	vst v63  }
0x5d: {  	_ =	swait.ge [sflag:s19], $0x4000  }
0x5e: {  	[sflag:s19] =	ssyncset.done $0x0  }
0x5f: {  	[sflag:s19] =	ssyncadd.s32 $0xFFFFC000  }
0x60: {  	[spmem:s2] =	stream.indirect.scatter.add.f32 [tilespmem:s17], [sflag:$0x3], $0x80, s5, s16, $0xb8;
	[tilespmem:$0x1C800] =	vst v63  }
0x61: {  	_ =	swait.ge [sflag:s21], $0x4000  }
0x62: {  	[sflag:s21] =	ssyncset.done $0x0  }
0x63: {  	[sflag:s21] =	ssyncadd.s32 $0xFFFFC000  }
0x64: {  	[spmem:s2] =	stream.indirect.scatter.add.f32 [tilespmem:s18], [sflag:$0x4], $0x80, s8, s16, $0xb8;
	[tilespmem:$0x1C800] =	vst v63  }
0x65: {  	_ =	swait.ge [sflag:s20], $0x4000  }
0x66: {  	s12 =	rddreg [dreg:$0x7]  }
0x67: {  	p0 =	sne.s32 s12, $0x1  }
.Ltmp0:
0x68: {  	_ = 	snop;
	(pc) =	sbr.rel @!p0 .LBB2_3-.Ltmp0, $4  }
0x69: {  	[sflag:s20] =	ssyncset.done $0x0  }
0x6a: {  	[sflag:s20] =	ssyncadd.s32 $0xFFFFC000  }
0x6b: {  	_ =	swait.ge [sflag:s23], $0x4000  }
0x6c: {  	s6 =	sadd.s32 $0xFFFFFFFF, s12;
	[sflag:s23] =	ssyncset.done $0x0  }
.LBB2_2:
0x6d: {  	[sflag:s23] =	ssyncadd.s32 $0xFFFFC000;
	s11 =	sadd.s32 $0x80, s11  }
0x6e: {  	[tilespmem:s14], [sflag:$0x5] =	stream.linear.gather [hbm4b:s11+s3], $0x400, $0x38;
	[tilespmem:$0x1C800] =	vst v63  }
0x6f: {  	_ =	swait.ge [sflag:s13], $0x400  }
0x70: {  	[sflag:s13] =	ssyncset.done $0x0  }
0x71: {  	s10 =	sadd.s32 $0x80, s10;
	[sflag:s13] =	ssyncadd.s32 $0xFFFFFC00  }
0x72: {  	[tilespmem:s15], [sflag:$0x5] =	stream.linear.gather [hbm4b:s10+s3], $0x400, $0x38;
	[tilespmem:$0x1C800] =	vst v63  }
0x73: {  	_ =	swait.ge [sflag:s13], $0x400  }
0x74: {  	[sflag:s13] =	ssyncset.done $0x0  }
0x75: {  	[sflag:s13] =	ssyncadd.s32 $0xFFFFFC00  }
0x76: {  	[tilespmem:s17], [sflag:$0x1] =	stream.indirect.gather [hbm4b:s4+s16], $0x80, s14, s16, $0xb8;
	[tilespmem:$0x1C800] =	vst v63  }
0x77: {  	s12 =	rddreg [dreg:$0x4]  }
0x78: {  	[tilespmem:s18], [sflag:$0x2] =	stream.indirect.gather [hbm4b:s4+s16], $0x80, s12, s16, $0xb8;
	[tilespmem:$0x1C800] =	vst v63  }
0x79: {  	_ =	swait.ge [sflag:s19], $0x4000  }
0x7a: {  	[sflag:s19] =	ssyncset.done $0x0  }
0x7b: {  	[sflag:s19] =	ssyncadd.s32 $0xFFFFC000  }
0x7c: {  	[spmem:s2] =	stream.indirect.scatter.add.f32 [tilespmem:s17], [sflag:$0x3], $0x80, s15, s16, $0xb8;
	[tilespmem:$0x1C800] =	vst v63  }
0x7d: {  	_ =	swait.ge [sflag:s20], $0x4000  }
0x7e: {  	[sflag:s20] =	ssyncset.done $0x0  }
0x7f: {  	s12 =	rddreg [dreg:$0x5];
	[sflag:s20] =	ssyncadd.s32 $0xFFFFC000  }
0x80: {  	[tilespmem:s17], [sflag:$0x1] =	stream.indirect.gather [hbm4b:s4+s16], $0x80, s12, s16, $0xb8;
	[tilespmem:$0x1C800] =	vst v63  }
0x81: {  	_ =	swait.ge [sflag:s21], $0x4000  }
0x82: {  	[sflag:s21] =	ssyncset.done $0x0  }
0x83: {  	[sflag:s21] =	ssyncadd.s32 $0xFFFFC000  }
0x84: {  	[spmem:s2] =	stream.indirect.scatter.add.f32 [tilespmem:s18], [sflag:$0x4], $0x80, s22, s16, $0xb8;
	[tilespmem:$0x1C800] =	vst v63  }
0x85: {  	_ =	swait.ge [sflag:s23], $0x4000  }
0x86: {  	[sflag:s23] =	ssyncset.done $0x0  }
0x87: {  	[sflag:s23] =	ssyncadd.s32 $0xFFFFC000  }
0x88: {  	[tilespmem:s18], [sflag:$0x2] =	stream.indirect.gather [hbm4b:s4+s16], $0x80, s24, s16, $0xb8;
	[tilespmem:$0x1C800] =	vst v63  }
0x89: {  	_ =	swait.ge [sflag:s19], $0x4000  }
0x8a: {  	[sflag:s19] =	ssyncset.done $0x0  }
0x8b: {  	[sflag:s19] =	ssyncadd.s32 $0xFFFFC000  }
0x8c: {  	[spmem:s2] =	stream.indirect.scatter.add.f32 [tilespmem:s17], [sflag:$0x3], $0x80, s25, s16, $0xb8;
	[tilespmem:$0x1C800] =	vst v63  }
0x8d: {  	_ =	swait.ge [sflag:s20], $0x4000  }
0x8e: {  	[sflag:s20] =	ssyncset.done $0x0  }
0x8f: {  	[sflag:s20] =	ssyncadd.s32 $0xFFFFC000  }
0x90: {  	[tilespmem:s17], [sflag:$0x1] =	stream.indirect.gather [hbm4b:s4+s16], $0x80, s26, s16, $0xb8;
	[tilespmem:$0x1C800] =	vst v63  }
0x91: {  	_ =	swait.ge [sflag:s21], $0x4000  }
0x92: {  	[sflag:s21] =	ssyncset.done $0x0  }
0x93: {  	[sflag:s21] =	ssyncadd.s32 $0xFFFFC000  }
0x94: {  	[spmem:s2] =	stream.indirect.scatter.add.f32 [tilespmem:s18], [sflag:$0x4], $0x80, s28, s16, $0xb8;
	[tilespmem:$0x1C800] =	vst v63  }
0x95: {  	_ =	swait.ge [sflag:s23], $0x4000  }
0x96: {  	[sflag:s23] =	ssyncset.done $0x0  }
0x97: {  	[sflag:s23] =	ssyncadd.s32 $0xFFFFC000  }
0x98: {  	[tilespmem:s18], [sflag:$0x2] =	stream.indirect.gather [hbm4b:s4+s16], $0x80, s29, s16, $0xb8;
	[tilespmem:$0x1C800] =	vst v63  }
0x99: {  	_ =	swait.ge [sflag:s19], $0x4000  }
0x9a: {  	[sflag:s19] =	ssyncset.done $0x0  }
0x9b: {  	[sflag:s19] =	ssyncadd.s32 $0xFFFFC000  }
0x9c: {  	[spmem:s2] =	stream.indirect.scatter.add.f32 [tilespmem:s17], [sflag:$0x3], $0x80, s30, s16, $0xb8;
	[tilespmem:$0x1C800] =	vst v63  }
0x9d: {  	_ =	swait.ge [sflag:s20], $0x4000  }
0x9e: {  	[sflag:s20] =	ssyncset.done $0x0  }
0x9f: {  	[sflag:s20] =	ssyncadd.s32 $0xFFFFC000  }
0xa0: {  	[tilespmem:s17], [sflag:$0x1] =	stream.indirect.gather [hbm4b:s4+s16], $0x80, s31, s16, $0xb8;
	[tilespmem:$0x1C800] =	vst v63  }
0xa1: {  	_ =	swait.ge [sflag:s21], $0x4000  }
0xa2: {  	[sflag:s21] =	ssyncset.done $0x0  }
0xa3: {  	[sflag:s21] =	ssyncadd.s32 $0xFFFFC000  }
0xa4: {  	[spmem:s2] =	stream.indirect.scatter.add.f32 [tilespmem:s18], [sflag:$0x4], $0x80, s0, s16, $0xb8;
	[tilespmem:$0x1C800] =	vst v63  }
0xa5: {  	_ =	swait.ge [sflag:s23], $0x4000  }
0xa6: {  	[sflag:s23] =	ssyncset.done $0x0  }
0xa7: {  	[sflag:s23] =	ssyncadd.s32 $0xFFFFC000  }
0xa8: {  	[tilespmem:s18], [sflag:$0x2] =	stream.indirect.gather [hbm4b:s4+s16], $0x80, s1, s16, $0xb8;
	[tilespmem:$0x1C800] =	vst v63  }
0xa9: {  	_ =	swait.ge [sflag:s19], $0x4000  }
0xaa: {  	[sflag:s19] =	ssyncset.done $0x0  }
0xab: {  	[sflag:s19] =	ssyncadd.s32 $0xFFFFC000  }
0xac: {  	[spmem:s2] =	stream.indirect.scatter.add.f32 [tilespmem:s17], [sflag:$0x3], $0x80, s5, s16, $0xb8;
	[tilespmem:$0x1C800] =	vst v63  }
0xad: {  	_ =	swait.ge [sflag:s21], $0x4000  }
0xae: {  	[sflag:s21] =	ssyncset.done $0x0  }
0xaf: {  	p0 =	sne.s32 s6, $0x1;
	[sflag:s21] =	ssyncadd.s32 $0xFFFFC000  }
0xb0: {  	[spmem:s2] =	stream.indirect.scatter.add.f32 [tilespmem:s18], [sflag:$0x4], $0x80, s8, s16, $0xb8;
	[tilespmem:$0x1C800] =	vst v63  }
.Ltmp1:
0xb1: {  	_ =	swait.ge [sflag:s20], $0x4000;
	(pc) =	sbr.rel @p0 .LBB2_2-.Ltmp1, $4  }
0xb2: {  	[sflag:s20] =	ssyncset.done $0x0  }
0xb3: {  	[sflag:s20] =	ssyncadd.s32 $0xFFFFC000  }
0xb4: {  	_ =	swait.ge [sflag:s23], $0x4000  }
0xb5: {  	s6 =	sadd.s32 $0xFFFFFFFF, s6;
	[sflag:s23] =	ssyncset.done $0x0  }
.LBB2_3:
0xb6: {  	[sflag:s23] =	ssyncadd.s32 $0xFFFFC000  }
0xb7: {  	[bflag:$0x0] =	sbarrier.arrive $0xFFFF  }
0xb8: {  	s6 =	rddreg [dreg:$0x8]  }
0xb9: {  	s11 =	rddreg [dreg:$0xc]  }
0xba: {  	[hbm:s6], [sflag:s7] =	dma.local [spmem:s11], $0x2800  }
0xbb: {  	_ =	swait.ge [sflag:s13], $0x2800  }
0xbc: {  	s9 =	sadd.s32 $0x1, s9;
	s12 =	rddreg [dreg:$0x9]  }
0xbd: {  	p0 =	sne.s32 s9, s12  }
.Ltmp2:
0xbe: {  	_ = 	snop;
	(pc) =	sbr.rel @p0 .LBB2_1-.Ltmp2, $3  }
0xbf: {  	_ =	sdelay $0x1  }
0xc0: {  	[sflag:s13] =	ssyncset.done $0x0  }
0xc1: {  	s10 =	smov.u32 s7;
	[sflag:s13] =	ssyncadd.s32 $0xFFFFD800  }
0xc2: {  	_ =	sfence.sel $0x180000  }
0xc3: {  	[bflag:$0x0] =	sbarrier.arrive $0xFFFF  }
0xc4: {  	_ =	strace $0x9000004A  }
0xc5: {  	s0 =	stileid.u32;
	[bflag:$0x2] =	sbarrier.arrive $0xFFFF  }
0xc6: {  	p0 =	sne.s32 s0, $0x0;
	s0 =	rddreg [dreg:$0x3]  }
0xc7: {  	s0 =	sadd.s32 @!p0 $0x100000, s0  }
0xc8: {  	[sflag:s0] =	ssyncadd.tile.s32 @!p0 $0x1;
	_ =	shalt  }
.Lfunc_end2:
_tile_overlayer_lowered:
.L_overlay_start_2:
0xc9: {  	(tag) =	ssettag $0x2  }
0xca: {  	s0 =	rddreg [dreg:$0x0];
	s2 =	stileid.u32  }
0xcb: {  	s1 =	rddreg [dreg:$0x1];
	p0 =	sne.s32 s2, $0x0  }
0xcc: {  	s3 =	rddreg [dreg:$0x2];
	[bflag:$0x3] =	sbarrier.arrive $0xFFFF;
	s2 =	simm.s32 @!p0 $0x1C05  }
0xcd: {  	[timem:s3], [sflag:s2] =	dma.local @!p0 [hbm:s0], s1  }
0xce: {  	s0 =	simm.s32 @!p0 $0x5  }
0xcf: {  	_ =	swait.ge @!p0 [sflag:s0], s1  }
0xd0: {  	s1 =	ssub.s32 @!p0 $0x0, s1;
	[sflag:s0] =	ssyncset.done @!p0 $0x0  }
0xd1: {  	[sflag:s0] =	ssyncadd.s32 @!p0 s1  }
0xd2: {  	[bflag:$0x3] =	sbarrier.arrive $0xFFFF  }
0xd3: {  	_ =	shalt  }

</sc_bundles>
